<compile_context>
chip_gen: v7x
topology: tpu7x:2x2x1
jax: 0.10.2.dev20260603
libtpu: 0.0.44.dev20260713+nightly
codegen_flags: <defaults>
</compile_context>

<pallas_src>
import functools

import jax
import jax.numpy as jnp
from jax import lax
from jax.experimental import pallas as pl
from jax.experimental.pallas import tpu as pltpu
from jax.experimental.pallas import tpu_sc as plsc

N = 10000
E = 320000
D = 128
NC = 2
NS = 16
NW = NC * NS
L = 16
CH = 80

EPW = E // NW
SB = 25
RT = 640
RT_LAST = N - 15 * RT

_mesh = plsc.VectorSubcoreMesh(
    core_axis_name="c", subcore_axis_name="s", num_cores=NC, num_subcores=NS)


@functools.partial(
    pl.kernel,
    out_type=jax.ShapeDtypeStruct((NC, N), jnp.float32),
    mesh=_mesh,
    scratch_types=[
        pltpu.VMEM((EPW // CH, CH), jnp.int32),
        pltpu.VMEM((N,), jnp.float32),
        pltpu.VMEM((CH,), jnp.float32),
        pltpu.VMEM_SHARED((N,), jnp.float32),
        pltpu.SemaphoreType.DMA,
        pltpu.SemaphoreType.DMA,
        pltpu.SemaphoreType.DMA,
        pltpu.SemaphoreType.DMA,
    ],
)
def _deg_kernel(dst3_hbm, init_hbm, ones_hbm, deg_hbm, idx_v, nbuf_v, ones_v,
                shared, dsem0, dsem1, dsem2, dsem3):
    c = lax.axis_index("c")
    s = lax.axis_index("s")
    wid = s * NC + c

    @pl.when(s == 0)
    def _():
        pltpu.sync_copy(init_hbm.at[c], nbuf_v)
        pltpu.sync_copy(nbuf_v, shared)

    pltpu.sync_copy(ones_hbm, ones_v)
    pltpu.sync_copy(dst3_hbm.at[wid], idx_v)
    plsc.subcore_barrier()

    dsems = (dsem0, dsem1, dsem2, dsem3)

    def body(i, _):
        ds = [pltpu.async_copy(ones_v, shared.at[idx_v.at[4 * i + k]],
                               dsems[k], add=True) for k in range(4)]
        for d in ds:
            d.wait()
        return 0

    lax.fori_loop(0, EPW // CH // 4, body, 0)
    pltpu.sync_copy(ones_v, shared.at[idx_v.at[EPW // CH - 1]], add=True)
    plsc.subcore_barrier()

    @pl.when(s == 0)
    def _():
        pltpu.sync_copy(shared, nbuf_v)
        pltpu.sync_copy(nbuf_v, deg_hbm.at[c])


def _mm_body(x_ref, w_ref, deg_ref, g_ref):
    h = jnp.dot(x_ref[...], w_ref[...], preferred_element_type=jnp.float32)
    deg = deg_ref[0] + deg_ref[1]
    g_ref[...] = h * lax.rsqrt(deg)


def _matmul_scale(x, W, deg2):
    bm = 1000
    return pl.pallas_call(
        _mm_body,
        grid=(N // bm,),
        in_specs=[
            pl.BlockSpec((bm, D), lambda i: (i, 0)),
            pl.BlockSpec((D, D), lambda i: (0, 0)),
            pl.BlockSpec((NC, bm, 1), lambda i: (0, i, 0)),
        ],
        out_specs=pl.BlockSpec((bm, D), lambda i: (i, 0)),
        out_shape=jax.ShapeDtypeStruct((N, D), jnp.float32),
    )(x, W, deg2)


@functools.partial(
    pl.kernel,
    out_type=jax.ShapeDtypeStruct((NC, N, D), jnp.float32),
    mesh=_mesh,
    scratch_types=[
        pltpu.VMEM((SB, CH), jnp.int32),
        pltpu.VMEM((SB, CH), jnp.int32),
        pltpu.VMEM((CH, D), jnp.float32),
        pltpu.VMEM((CH, D), jnp.float32),
        pltpu.VMEM((CH, D), jnp.float32),
        pltpu.VMEM((CH, D), jnp.float32),
        pltpu.VMEM_SHARED((N, D), jnp.float32),
        pltpu.SemaphoreType.DMA,
        pltpu.SemaphoreType.DMA,
        pltpu.SemaphoreType.DMA,
        pltpu.SemaphoreType.DMA,
    ],
)
def _edge_kernel(g_hbm, src4_hbm, dst4_hbm, zero_hbm, agg_hbm,
                 sidx_v, didx_v, rows0_v, rows1_v, rows2_v, rows3_v, shared,
                 sem0, sem1, sem2, sem3):
    c = lax.axis_index("c")
    s = lax.axis_index("s")
    r0 = pl.multiple_of(s * RT, 8)
    nch = jnp.where(s == NS - 1, RT_LAST // CH, RT // CH)

    pltpu.sync_copy(zero_hbm, rows0_v)

    def init_body(j, _):
        rows = pl.ds(pl.multiple_of(r0 + j * CH, 8), CH)
        pltpu.sync_copy(rows0_v, shared.at[rows, :])
        return 0

    lax.fori_loop(0, nch, init_body, 0)

    wid = s * NC + c
    plsc.subcore_barrier()

    def gather(ch, buf, sem):
        pltpu.async_copy(g_hbm.at[sidx_v.at[ch]], buf, sem)

    def gwait(ch, buf, sem):
        pltpu.make_async_copy(g_hbm.at[sidx_v.at[ch]], buf, sem).wait()

    def scat(ch, buf):
        pltpu.sync_copy(buf, shared.at[didx_v.at[ch]], add=True)

    def sb_body(sb, _):
        pltpu.sync_copy(src4_hbm.at[wid].at[sb], sidx_v)
        di = pltpu.async_copy(dst4_hbm.at[wid].at[sb], didx_v, sem2)
        def ag(ch, buf, sem):
            return pltpu.async_copy(g_hbm.at[sidx_v.at[ch]], buf, sem)

        def asc(ch, buf, sem):
            return pltpu.async_copy(buf, shared.at[didx_v.at[ch]], sem,
                                    add=True)

        d0 = ag(0, rows0_v, sem0)
        d1 = ag(1, rows1_v, sem1)
        d0.wait()
        d1.wait()
        di.wait()

        def body(j, _):
            e0 = asc(4 * j, rows0_v, sem0)
            e1 = asc(4 * j + 1, rows1_v, sem1)
            d2 = ag(4 * j + 2, rows2_v, sem2)
            d3 = ag(4 * j + 3, rows3_v, sem3)
            e0.wait(); e1.wait(); d2.wait(); d3.wait()
            e2 = asc(4 * j + 2, rows2_v, sem2)
            e3 = asc(4 * j + 3, rows3_v, sem3)
            f0 = ag(4 * j + 4, rows0_v, sem0)
            f1 = ag(4 * j + 5, rows1_v, sem1)
            e2.wait(); e3.wait(); f0.wait(); f1.wait()
            return 0

        lax.fori_loop(0, 5, body, 0)
        e0 = asc(20, rows0_v, sem0)
        e1 = asc(21, rows1_v, sem1)
        d2 = ag(22, rows2_v, sem2)
        d3 = ag(23, rows3_v, sem3)
        e0.wait(); e1.wait(); d2.wait(); d3.wait()
        e2 = asc(22, rows2_v, sem2)
        e3 = asc(23, rows3_v, sem3)
        d0 = ag(24, rows0_v, sem0)
        e2.wait(); e3.wait(); d0.wait()
        scat(24, rows0_v)
        return 0

    lax.fori_loop(0, EPW // (SB * CH), sb_body, 0)
    plsc.subcore_barrier()

    def out_body(j, _):
        rows = pl.ds(pl.multiple_of(r0 + j * CH, 8), CH)
        pltpu.sync_copy(shared.at[rows, :], rows0_v)
        pltpu.sync_copy(rows0_v, agg_hbm.at[c].at[rows, :])
        return 0

    lax.fori_loop(0, nch, out_body, 0)


def _out_body(agg_ref, g_ref, deg_ref, b_ref, o_ref):
    deg = deg_ref[0] + deg_ref[1]
    dinv = lax.rsqrt(deg)
    acc = agg_ref[0] + agg_ref[1] + g_ref[...]
    o_ref[...] = jnp.maximum(acc * dinv + b_ref[...], 0.0)


def _combine(agg, g, deg2, b):
    bm = 1000
    return pl.pallas_call(
        _out_body,
        grid=(N // bm,),
        in_specs=[
            pl.BlockSpec((NC, bm, D), lambda i: (0, i, 0)),
            pl.BlockSpec((bm, D), lambda i: (i, 0)),
            pl.BlockSpec((NC, bm, 1), lambda i: (0, i, 0)),
            pl.BlockSpec((1, D), lambda i: (0, 0)),
        ],
        out_specs=pl.BlockSpec((bm, D), lambda i: (i, 0)),
        out_shape=jax.ShapeDtypeStruct((N, D), jnp.float32),
    )(agg, g, deg2, b.reshape(1, D))


def kernel(x, edge_index, W, b):
    src = edge_index[0].astype(jnp.int32)
    dst = edge_index[1].astype(jnp.int32)
    init = jnp.stack([jnp.ones((N,), jnp.float32),
                      jnp.zeros((N,), jnp.float32)])
    ones = jnp.ones((CH,), jnp.float32)
    zero = jnp.zeros((CH, D), jnp.float32)
    deg2 = _deg_kernel(dst.reshape(NW, EPW // CH, CH), init, ones)
    g = _matmul_scale(x, W, deg2.reshape(NC, N, 1))
    agg = _edge_kernel(g, src.reshape(NW, EPW // (SB * CH), SB, CH),
                       dst.reshape(NW, EPW // (SB * CH), SB, CH), zero)
    return _combine(agg, g, deg2.reshape(NC, N, 1), b)

# --- scband reference (transcript-rebuilt; emitter-appended) ---
"""Pipeline reference for scband-gcn-7876970021467 (READ-ONLY COPY).

The authoritative reference and input builder live on the scoring server;
editing this copy changes nothing except your own understanding.
"""

import jax, jax.numpy as jnp
import numpy as np

N_NODES = 10000
N_EDGES = 320000
D_IN = 128
D_OUT = 128


def setup_inputs(seed: int = 0) -> dict:
    key = jax.random.key(seed)
    k1, k2, k3 = jax.random.split(key, 3)
    x = jax.random.normal(k1, (N_NODES, D_IN), dtype=jnp.float32)
    edge_index = jax.random.randint(k2, (2, N_EDGES), 0, N_NODES, dtype=jnp.int64)
    # GCN layer weight (Glorot-ish init) and bias
    W = jax.random.normal(k3, (D_IN, D_OUT), dtype=jnp.float32) * (1.0 / np.sqrt(D_IN))
    b = jnp.zeros((D_OUT,), dtype=jnp.float32)
    return {"x": x, "edge_index": edge_index, "W": W, "b": b}


def reference(x, edge_index, W, b):
    # GCN propagation: out = relu( D^{-1/2} (A + I) D^{-1/2} X W + b )
    # expressed in message-passing (gather / scatter-add) form over edge_index.
    N = x.shape[0]
    src = edge_index[0]
    dst = edge_index[1]
    # add self-loops (A + I)
    loop = jnp.arange(N, dtype=src.dtype)
    src = jnp.concatenate([src, loop], axis=0)
    dst = jnp.concatenate([dst, loop], axis=0)
    # symmetric degree normalization
    ones = jnp.ones_like(dst, dtype=x.dtype)
    deg = jax.ops.segment_sum(ones, dst, num_segments=N)
    d_inv_sqrt = jnp.where(deg > 0, 1.0 / jnp.sqrt(deg), 0.0)
    norm = d_inv_sqrt[src] * d_inv_sqrt[dst]
    # dense transform then gather + weighted scatter-add
    h = x @ W
    msg = h[src] * norm[:, None]
    agg = jax.ops.segment_sum(msg, dst, num_segments=N)
    out = jax.nn.relu(agg + b)
    return out

if __name__ == "__main__":
    import jax
    _d = setup_inputs()
    print(jax.jit(kernel)(*tuple(_d.values())))

</pallas_src>

<mosaic_0001>
#map = affine_map<(d0, d1) -> (0, 0, 0)>
#map1 = affine_map<(d0, d1) -> (0, 0)>
#map2 = affine_map<(d0, d1) -> (0)>
module attributes {stable_mosaic.version = 14 : i64} {
  func.func @_deg_kernel(%arg0: i32, %arg1: i32, %arg2: memref<32x125x80xi32, #tpu.memory_space<hbm>>, %arg3: memref<2x10000xf32, #tpu.memory_space<hbm>>, %arg4: memref<80xf32, #tpu.memory_space<hbm>>, %arg5: memref<2x10000xf32, #tpu.memory_space<hbm>>, %arg6: memref<125x80xi32, #tpu.memory_space<vmem>>, %arg7: memref<10000xf32, #tpu.memory_space<vmem>>, %arg8: memref<80xf32, #tpu.memory_space<vmem>>, %arg9: memref<10000xf32, #tpu.memory_space<vmem_shared>>, %arg10: memref<!tpu.dma_semaphore, #tpu.memory_space<semaphore_mem>>, %arg11: memref<!tpu.dma_semaphore, #tpu.memory_space<semaphore_mem>>, %arg12: memref<!tpu.dma_semaphore, #tpu.memory_space<semaphore_mem>>, %arg13: memref<!tpu.dma_semaphore, #tpu.memory_space<semaphore_mem>>) attributes {dimension_semantics = [#tpu.dimension_semantics<core_parallel>, #tpu.dimension_semantics<subcore_parallel>], iteration_bounds = array<i64: 2, 16>, scalar_prefetch = 0 : i64, scratch_operands = 8 : i64, tpu.core_type = #tpu.core_type<sc_vector_subcore>, window_params = [{transform_indices = #map}, {transform_indices = #map1}, {transform_indices = #map2}, {transform_indices = #map1}]} {
    %mul3A = arith.constant 2 : i32
    %mul3A_0 = arith.muli %arg1, %mul3A : i32
    %add3A = arith.addi %mul3A_0, %arg0 : i32
    %eq3A = arith.constant 0 : i32
    %eq3A_1 = arith.cmpi eq, %arg1, %eq3A : i32
    %convert_element_type3A = arith.extui %eq3A_1 : i1 to i32
    %cond3A = arith.constant 0 : i32
    %cond3A_2 = arith.cmpi ne, %convert_element_type3A, %cond3A : i32
    scf.if %cond3A_2 {
      "tpu.region"() ({
        %run_scoped3A_15 = tpu.sem_alloc : memref<!tpu.dma_semaphore, #tpu.memory_space<semaphore_mem>>
        %dma_start3A = arith.constant 0 : i32
        %dma_start3A_16 = tpu.memref_slice %arg3[%arg0, %dma_start3A] : memref<2x10000xf32, #tpu.memory_space<hbm>> -> memref<1x10000xf32, #tpu.memory_space<hbm>>
        %dma_start3A_17 = tpu.memref_squeeze %dma_start3A_16 : memref<1x10000xf32, #tpu.memory_space<hbm>> -> memref<10000xf32, #tpu.memory_space<hbm>>
        %dma_start3A_18 = arith.constant 0 : i32
        %dma_start3A_19 = tpu.memref_slice %arg3[%arg0, %dma_start3A_18] : memref<2x10000xf32, #tpu.memory_space<hbm>> -> memref<1x10000xf32, #tpu.memory_space<hbm>>
        %dma_start3A_20 = tpu.memref_squeeze %dma_start3A_19 : memref<1x10000xf32, #tpu.memory_space<hbm>> -> memref<10000xf32, #tpu.memory_space<hbm>>
        tpu.enqueue_dma source(%dma_start3A_20 : memref<10000xf32, #tpu.memory_space<hbm>>) target(%arg7 : memref<10000xf32, #tpu.memory_space<vmem>>) target_semaphore(%run_scoped3A_15 : memref<!tpu.dma_semaphore, #tpu.memory_space<semaphore_mem>>)
        %dma_wait3A = arith.constant 0 : i32
        %dma_wait3A_21 = tpu.memref_slice %arg3[%arg0, %dma_wait3A] : memref<2x10000xf32, #tpu.memory_space<hbm>> -> memref<1x10000xf32, #tpu.memory_space<hbm>>
        %dma_wait3A_22 = tpu.memref_squeeze %dma_wait3A_21 : memref<1x10000xf32, #tpu.memory_space<hbm>> -> memref<10000xf32, #tpu.memory_space<hbm>>
        %dma_wait3A_23 = arith.constant 0 : i32
        %dma_wait3A_24 = tpu.memref_slice %arg3[%arg0, %dma_wait3A_23] : memref<2x10000xf32, #tpu.memory_space<hbm>> -> memref<1x10000xf32, #tpu.memory_space<hbm>>
        %dma_wait3A_25 = tpu.memref_squeeze %dma_wait3A_24 : memref<1x10000xf32, #tpu.memory_space<hbm>> -> memref<10000xf32, #tpu.memory_space<hbm>>
        tpu.wait_dma2 semaphore(%run_scoped3A_15 : memref<!tpu.dma_semaphore, #tpu.memory_space<semaphore_mem>>) src(%dma_wait3A_25 : memref<10000xf32, #tpu.memory_space<hbm>>) dst(%arg7 : memref<10000xf32, #tpu.memory_space<vmem>>)
        tpu.yield
      }) : () -> ()
      "tpu.region"() ({
        %run_scoped3A_15 = tpu.sem_alloc : memref<!tpu.dma_semaphore, #tpu.memory_space<semaphore_mem>>
        tpu.enqueue_dma source(%arg7 : memref<10000xf32, #tpu.memory_space<vmem>>) target(%arg9 : memref<10000xf32, #tpu.memory_space<vmem_shared>>) target_semaphore(%run_scoped3A_15 : memref<!tpu.dma_semaphore, #tpu.memory_space<semaphore_mem>>)
        tpu.wait_dma2 semaphore(%run_scoped3A_15 : memref<!tpu.dma_semaphore, #tpu.memory_space<semaphore_mem>>) src(%arg7 : memref<10000xf32, #tpu.memory_space<vmem>>) dst(%arg9 : memref<10000xf32, #tpu.memory_space<vmem_shared>>)
        tpu.yield
      }) : () -> ()
    } else {
    }
    "tpu.region"() ({
      %run_scoped3A_15 = tpu.sem_alloc : memref<!tpu.dma_semaphore, #tpu.memory_space<semaphore_mem>>
      tpu.enqueue_dma source(%arg4 : memref<80xf32, #tpu.memory_space<hbm>>) target(%arg8 : memref<80xf32, #tpu.memory_space<vmem>>) target_semaphore(%run_scoped3A_15 : memref<!tpu.dma_semaphore, #tpu.memory_space<semaphore_mem>>)
      tpu.wait_dma2 semaphore(%run_scoped3A_15 : memref<!tpu.dma_semaphore, #tpu.memory_space<semaphore_mem>>) src(%arg4 : memref<80xf32, #tpu.memory_space<hbm>>) dst(%arg8 : memref<80xf32, #tpu.memory_space<vmem>>)
      tpu.yield
    }) : () -> ()
    "tpu.region"() ({
      %run_scoped3A_15 = tpu.sem_alloc : memref<!tpu.dma_semaphore, #tpu.memory_space<semaphore_mem>>
      %dma_start3A = arith.constant 0 : i32
      %dma_start3A_16 = arith.constant 0 : i32
      %dma_start3A_17 = tpu.memref_slice %arg2[%add3A, %dma_start3A, %dma_start3A_16] : memref<32x125x80xi32, #tpu.memory_space<hbm>> -> memref<1x125x80xi32, #tpu.memory_space<hbm>>
      %dma_start3A_18 = tpu.memref_squeeze %dma_start3A_17 : memref<1x125x80xi32, #tpu.memory_space<hbm>> -> memref<125x80xi32, #tpu.memory_space<hbm>>
      %dma_start3A_19 = arith.constant 0 : i32
      %dma_start3A_20 = arith.constant 0 : i32
      %dma_start3A_21 = tpu.memref_slice %arg2[%add3A, %dma_start3A_19, %dma_start3A_20] : memref<32x125x80xi32, #tpu.memory_space<hbm>> -> memref<1x125x80xi32, #tpu.memory_space<hbm>>
      %dma_start3A_22 = tpu.memref_squeeze %dma_start3A_21 : memref<1x125x80xi32, #tpu.memory_space<hbm>> -> memref<125x80xi32, #tpu.memory_space<hbm>>
      tpu.enqueue_dma source(%dma_start3A_22 : memref<125x80xi32, #tpu.memory_space<hbm>>) target(%arg6 : memref<125x80xi32, #tpu.memory_space<vmem>>) target_semaphore(%run_scoped3A_15 : memref<!tpu.dma_semaphore, #tpu.memory_space<semaphore_mem>>)
      %dma_wait3A = arith.constant 0 : i32
      %dma_wait3A_23 = arith.constant 0 : i32
      %dma_wait3A_24 = tpu.memref_slice %arg2[%add3A, %dma_wait3A, %dma_wait3A_23] : memref<32x125x80xi32, #tpu.memory_space<hbm>> -> memref<1x125x80xi32, #tpu.memory_space<hbm>>
      %dma_wait3A_25 = tpu.memref_squeeze %dma_wait3A_24 : memref<1x125x80xi32, #tpu.memory_space<hbm>> -> memref<125x80xi32, #tpu.memory_space<hbm>>
      %dma_wait3A_26 = arith.constant 0 : i32
      %dma_wait3A_27 = arith.constant 0 : i32
      %dma_wait3A_28 = tpu.memref_slice %arg2[%add3A, %dma_wait3A_26, %dma_wait3A_27] : memref<32x125x80xi32, #tpu.memory_space<hbm>> -> memref<1x125x80xi32, #tpu.memory_space<hbm>>
      %dma_wait3A_29 = tpu.memref_squeeze %dma_wait3A_28 : memref<1x125x80xi32, #tpu.memory_space<hbm>> -> memref<125x80xi32, #tpu.memory_space<hbm>>
      tpu.wait_dma2 semaphore(%run_scoped3A_15 : memref<!tpu.dma_semaphore, #tpu.memory_space<semaphore_mem>>) src(%dma_wait3A_29 : memref<125x80xi32, #tpu.memory_space<hbm>>) dst(%arg6 : memref<125x80xi32, #tpu.memory_space<vmem>>)
      tpu.yield
    }) : () -> ()
    %barrier3A = arith.constant 0 : index
    tpu.barrier barrier_id(%barrier3A)
    %scan3A = arith.constant 0 : i32
    %scan3A_3 = arith.constant 0 : i32
    %scan3A_4 = arith.constant 31 : i32
    %scan3A_5 = arith.addi %scan3A_3, %scan3A_4 : i32
    %scan3A_6 = arith.constant 1 : i32
    %scan3A_7 = scf.for %scan3A_15 = %scan3A_3 to %scan3A_5 step %scan3A_6 iter_args(%scan3A_16 = %scan3A) -> (i32)  : i32 {
      %mul3A_17 = arith.constant 4 : i32
      %mul3A_18 = arith.muli %mul3A_17, %scan3A_15 : i32
      %add3A_19 = arith.constant 0 : i32
      %add3A_20 = arith.addi %mul3A_18, %add3A_19 : i32
      %dma_start3A = arith.constant 0 : i32
      %dma_start3A_21 = tpu.memref_slice %arg6[%add3A_20, %dma_start3A] : memref<125x80xi32, #tpu.memory_space<vmem>> -> memref<1x80xi32, #tpu.memory_space<vmem>>
      %dma_start3A_22 = tpu.memref_squeeze %dma_start3A_21 : memref<1x80xi32, #tpu.memory_space<vmem>> -> memref<80xi32, #tpu.memory_space<vmem>>
      %dma_start3A_23 = arith.constant 0 : i32
      %dma_start3A_24 = tpu.memref_slice %arg9[%dma_start3A_23] : memref<10000xf32, #tpu.memory_space<vmem_shared>> -> memref<10000xf32, #tpu.memory_space<vmem_shared>>
      tpu.enqueue_indirect_dma source(%arg8 : memref<80xf32, #tpu.memory_space<vmem>>) target(%dma_start3A_24 : memref<10000xf32, #tpu.memory_space<vmem_shared>>) offsets(%dma_start3A_22 : memref<80xi32, #tpu.memory_space<vmem>>) semaphore(%arg10 : memref<!tpu.dma_semaphore, #tpu.memory_space<semaphore_mem>>) {add = true}
      %mul3A_25 = arith.constant 4 : i32
      %mul3A_26 = arith.muli %mul3A_25, %scan3A_15 : i32
      %add3A_27 = arith.constant 1 : i32
      %add3A_28 = arith.addi %mul3A_26, %add3A_27 : i32
      %dma_start3A_29 = arith.constant 0 : i32
      %dma_start3A_30 = tpu.memref_slice %arg6[%add3A_28, %dma_start3A_29] : memref<125x80xi32, #tpu.memory_space<vmem>> -> memref<1x80xi32, #tpu.memory_space<vmem>>
      %dma_start3A_31 = tpu.memref_squeeze %dma_start3A_30 : memref<1x80xi32, #tpu.memory_space<vmem>> -> memref<80xi32, #tpu.memory_space<vmem>>
      %dma_start3A_32 = arith.constant 0 : i32
      %dma_start3A_33 = tpu.memref_slice %arg9[%dma_start3A_32] : memref<10000xf32, #tpu.memory_space<vmem_shared>> -> memref<10000xf32, #tpu.memory_space<vmem_shared>>
      tpu.enqueue_indirect_dma source(%arg8 : memref<80xf32, #tpu.memory_space<vmem>>) target(%dma_start3A_33 : memref<10000xf32, #tpu.memory_space<vmem_shared>>) offsets(%dma_start3A_31 : memref<80xi32, #tpu.memory_space<vmem>>) semaphore(%arg11 : memref<!tpu.dma_semaphore, #tpu.memory_space<semaphore_mem>>) {add = true}
      %mul3A_34 = arith.constant 4 : i32
      %mul3A_35 = arith.muli %mul3A_34, %scan3A_15 : i32
      %add3A_36 = arith.constant 2 : i32
      %add3A_37 = arith.addi %mul3A_35, %add3A_36 : i32
      %dma_start3A_38 = arith.constant 0 : i32
      %dma_start3A_39 = tpu.memref_slice %arg6[%add3A_37, %dma_start3A_38] : memref<125x80xi32, #tpu.memory_space<vmem>> -> memref<1x80xi32, #tpu.memory_space<vmem>>
      %dma_start3A_40 = tpu.memref_squeeze %dma_start3A_39 : memref<1x80xi32, #tpu.memory_space<vmem>> -> memref<80xi32, #tpu.memory_space<vmem>>
      %dma_start3A_41 = arith.constant 0 : i32
      %dma_start3A_42 = tpu.memref_slice %arg9[%dma_start3A_41] : memref<10000xf32, #tpu.memory_space<vmem_shared>> -> memref<10000xf32, #tpu.memory_space<vmem_shared>>
      tpu.enqueue_indirect_dma source(%arg8 : memref<80xf32, #tpu.memory_space<vmem>>) target(%dma_start3A_42 : memref<10000xf32, #tpu.memory_space<vmem_shared>>) offsets(%dma_start3A_40 : memref<80xi32, #tpu.memory_space<vmem>>) semaphore(%arg12 : memref<!tpu.dma_semaphore, #tpu.memory_space<semaphore_mem>>) {add = true}
      %mul3A_43 = arith.constant 4 : i32
      %mul3A_44 = arith.muli %mul3A_43, %scan3A_15 : i32
      %add3A_45 = arith.constant 3 : i32
      %add3A_46 = arith.addi %mul3A_44, %add3A_45 : i32
      %dma_start3A_47 = arith.constant 0 : i32
      %dma_start3A_48 = tpu.memref_slice %arg6[%add3A_46, %dma_start3A_47] : memref<125x80xi32, #tpu.memory_space<vmem>> -> memref<1x80xi32, #tpu.memory_space<vmem>>
      %dma_start3A_49 = tpu.memref_squeeze %dma_start3A_48 : memref<1x80xi32, #tpu.memory_space<vmem>> -> memref<80xi32, #tpu.memory_space<vmem>>
      %dma_start3A_50 = arith.constant 0 : i32
      %dma_start3A_51 = tpu.memref_slice %arg9[%dma_start3A_50] : memref<10000xf32, #tpu.memory_space<vmem_shared>> -> memref<10000xf32, #tpu.memory_space<vmem_shared>>
      tpu.enqueue_indirect_dma source(%arg8 : memref<80xf32, #tpu.memory_space<vmem>>) target(%dma_start3A_51 : memref<10000xf32, #tpu.memory_space<vmem_shared>>) offsets(%dma_start3A_49 : memref<80xi32, #tpu.memory_space<vmem>>) semaphore(%arg13 : memref<!tpu.dma_semaphore, #tpu.memory_space<semaphore_mem>>) {add = true}
      %dma_wait3A = arith.constant 0 : i32
      %dma_wait3A_52 = tpu.memref_slice %arg6[%add3A_20, %dma_wait3A] : memref<125x80xi32, #tpu.memory_space<vmem>> -> memref<1x80xi32, #tpu.memory_space<vmem>>
      %dma_wait3A_53 = tpu.memref_squeeze %dma_wait3A_52 : memref<1x80xi32, #tpu.memory_space<vmem>> -> memref<80xi32, #tpu.memory_space<vmem>>
      %dma_wait3A_54 = arith.constant 0 : i32
      %dma_wait3A_55 = tpu.memref_slice %arg9[%dma_wait3A_54] : memref<10000xf32, #tpu.memory_space<vmem_shared>> -> memref<10000xf32, #tpu.memory_space<vmem_shared>>
      tpu.wait_indirect_dma semaphore(%arg10 : memref<!tpu.dma_semaphore, #tpu.memory_space<semaphore_mem>>) src(%arg8 : memref<80xf32, #tpu.memory_space<vmem>>) dst(%dma_wait3A_55 : memref<10000xf32, #tpu.memory_space<vmem_shared>>)
      %dma_wait3A_56 = arith.constant 0 : i32
      %dma_wait3A_57 = tpu.memref_slice %arg6[%add3A_28, %dma_wait3A_56] : memref<125x80xi32, #tpu.memory_space<vmem>> -> memref<1x80xi32, #tpu.memory_space<vmem>>
      %dma_wait3A_58 = tpu.memref_squeeze %dma_wait3A_57 : memref<1x80xi32, #tpu.memory_space<vmem>> -> memref<80xi32, #tpu.memory_space<vmem>>
      %dma_wait3A_59 = arith.constant 0 : i32
      %dma_wait3A_60 = tpu.memref_slice %arg9[%dma_wait3A_59] : memref<10000xf32, #tpu.memory_space<vmem_shared>> -> memref<10000xf32, #tpu.memory_space<vmem_shared>>
      tpu.wait_indirect_dma semaphore(%arg11 : memref<!tpu.dma_semaphore, #tpu.memory_space<semaphore_mem>>) src(%arg8 : memref<80xf32, #tpu.memory_space<vmem>>) dst(%dma_wait3A_60 : memref<10000xf32, #tpu.memory_space<vmem_shared>>)
      %dma_wait3A_61 = arith.constant 0 : i32
      %dma_wait3A_62 = tpu.memref_slice %arg6[%add3A_37, %dma_wait3A_61] : memref<125x80xi32, #tpu.memory_space<vmem>> -> memref<1x80xi32, #tpu.memory_space<vmem>>
      %dma_wait3A_63 = tpu.memref_squeeze %dma_wait3A_62 : memref<1x80xi32, #tpu.memory_space<vmem>> -> memref<80xi32, #tpu.memory_space<vmem>>
      %dma_wait3A_64 = arith.constant 0 : i32
      %dma_wait3A_65 = tpu.memref_slice %arg9[%dma_wait3A_64] : memref<10000xf32, #tpu.memory_space<vmem_shared>> -> memref<10000xf32, #tpu.memory_space<vmem_shared>>
      tpu.wait_indirect_dma semaphore(%arg12 : memref<!tpu.dma_semaphore, #tpu.memory_space<semaphore_mem>>) src(%arg8 : memref<80xf32, #tpu.memory_space<vmem>>) dst(%dma_wait3A_65 : memref<10000xf32, #tpu.memory_space<vmem_shared>>)
      %dma_wait3A_66 = arith.constant 0 : i32
      %dma_wait3A_67 = tpu.memref_slice %arg6[%add3A_46, %dma_wait3A_66] : memref<125x80xi32, #tpu.memory_space<vmem>> -> memref<1x80xi32, #tpu.memory_space<vmem>>
      %dma_wait3A_68 = tpu.memref_squeeze %dma_wait3A_67 : memref<1x80xi32, #tpu.memory_space<vmem>> -> memref<80xi32, #tpu.memory_space<vmem>>
      %dma_wait3A_69 = arith.constant 0 : i32
      %dma_wait3A_70 = tpu.memref_slice %arg9[%dma_wait3A_69] : memref<10000xf32, #tpu.memory_space<vmem_shared>> -> memref<10000xf32, #tpu.memory_space<vmem_shared>>
      tpu.wait_indirect_dma semaphore(%arg13 : memref<!tpu.dma_semaphore, #tpu.memory_space<semaphore_mem>>) src(%arg8 : memref<80xf32, #tpu.memory_space<vmem>>) dst(%dma_wait3A_70 : memref<10000xf32, #tpu.memory_space<vmem_shared>>)
      %scan3A_71 = arith.constant 0 : i32
      scf.yield %scan3A_71 : i32
    }
    %scan3A_8 = arith.constant 31 : i32
    %run_scoped3A = arith.constant 124 : i32
    "tpu.region"() ({
      %run_scoped3A_15 = tpu.sem_alloc : memref<!tpu.dma_semaphore, #tpu.memory_space<semaphore_mem>>
      %dma_start3A = arith.constant 0 : i32
      %dma_start3A_16 = tpu.memref_slice %arg6[%run_scoped3A, %dma_start3A] : memref<125x80xi32, #tpu.memory_space<vmem>> -> memref<1x80xi32, #tpu.memory_space<vmem>>
      %dma_start3A_17 = tpu.memref_squeeze %dma_start3A_16 : memref<1x80xi32, #tpu.memory_space<vmem>> -> memref<80xi32, #tpu.memory_space<vmem>>
      %dma_start3A_18 = arith.constant 0 : i32
      %dma_start3A_19 = tpu.memref_slice %arg9[%dma_start3A_18] : memref<10000xf32, #tpu.memory_space<vmem_shared>> -> memref<10000xf32, #tpu.memory_space<vmem_shared>>
      tpu.enqueue_indirect_dma source(%arg8 : memref<80xf32, #tpu.memory_space<vmem>>) target(%dma_start3A_19 : memref<10000xf32, #tpu.memory_space<vmem_shared>>) offsets(%dma_start3A_17 : memref<80xi32, #tpu.memory_space<vmem>>) semaphore(%run_scoped3A_15 : memref<!tpu.dma_semaphore, #tpu.memory_space<semaphore_mem>>) {add = true}
      %dma_wait3A = arith.constant 0 : i32
      %dma_wait3A_20 = tpu.memref_slice %arg6[%run_scoped3A, %dma_wait3A] : memref<125x80xi32, #tpu.memory_space<vmem>> -> memref<1x80xi32, #tpu.memory_space<vmem>>
      %dma_wait3A_21 = tpu.memref_squeeze %dma_wait3A_20 : memref<1x80xi32, #tpu.memory_space<vmem>> -> memref<80xi32, #tpu.memory_space<vmem>>
      %dma_wait3A_22 = arith.constant 0 : i32
      %dma_wait3A_23 = tpu.memref_slice %arg9[%dma_wait3A_22] : memref<10000xf32, #tpu.memory_space<vmem_shared>> -> memref<10000xf32, #tpu.memory_space<vmem_shared>>
      tpu.wait_indirect_dma semaphore(%run_scoped3A_15 : memref<!tpu.dma_semaphore, #tpu.memory_space<semaphore_mem>>) src(%arg8 : memref<80xf32, #tpu.memory_space<vmem>>) dst(%dma_wait3A_23 : memref<10000xf32, #tpu.memory_space<vmem_shared>>)
      tpu.yield
    }) : () -> ()
    %barrier3A_9 = arith.constant 0 : index
    tpu.barrier barrier_id(%barrier3A_9)
    %eq3A_10 = arith.constant 0 : i32
    %eq3A_11 = arith.cmpi eq, %arg1, %eq3A_10 : i32
    %convert_element_type3A_12 = arith.extui %eq3A_11 : i1 to i32
    %cond3A_13 = arith.constant 0 : i32
    %cond3A_14 = arith.cmpi ne, %convert_element_type3A_12, %cond3A_13 : i32
    scf.if %cond3A_14 {
      "tpu.region"() ({
        %run_scoped3A_15 = tpu.sem_alloc : memref<!tpu.dma_semaphore, #tpu.memory_space<semaphore_mem>>
        tpu.enqueue_dma source(%arg9 : memref<10000xf32, #tpu.memory_space<vmem_shared>>) target(%arg7 : memref<10000xf32, #tpu.memory_space<vmem>>) target_semaphore(%run_scoped3A_15 : memref<!tpu.dma_semaphore, #tpu.memory_space<semaphore_mem>>)
        tpu.wait_dma2 semaphore(%run_scoped3A_15 : memref<!tpu.dma_semaphore, #tpu.memory_space<semaphore_mem>>) src(%arg9 : memref<10000xf32, #tpu.memory_space<vmem_shared>>) dst(%arg7 : memref<10000xf32, #tpu.memory_space<vmem>>)
        tpu.yield
      }) : () -> ()
      "tpu.region"() ({
        %run_scoped3A_15 = tpu.sem_alloc : memref<!tpu.dma_semaphore, #tpu.memory_space<semaphore_mem>>
        %dma_start3A = arith.constant 0 : i32
        %dma_start3A_16 = tpu.memref_slice %arg5[%arg0, %dma_start3A] : memref<2x10000xf32, #tpu.memory_space<hbm>> -> memref<1x10000xf32, #tpu.memory_space<hbm>>
        %dma_start3A_17 = tpu.memref_squeeze %dma_start3A_16 : memref<1x10000xf32, #tpu.memory_space<hbm>> -> memref<10000xf32, #tpu.memory_space<hbm>>
        %dma_start3A_18 = arith.constant 0 : i32
        %dma_start3A_19 = tpu.memref_slice %arg5[%arg0, %dma_start3A_18] : memref<2x10000xf32, #tpu.memory_space<hbm>> -> memref<1x10000xf32, #tpu.memory_space<hbm>>
        %dma_start3A_20 = tpu.memref_squeeze %dma_start3A_19 : memref<1x10000xf32, #tpu.memory_space<hbm>> -> memref<10000xf32, #tpu.memory_space<hbm>>
        tpu.enqueue_dma source(%arg7 : memref<10000xf32, #tpu.memory_space<vmem>>) target(%dma_start3A_20 : memref<10000xf32, #tpu.memory_space<hbm>>) target_semaphore(%run_scoped3A_15 : memref<!tpu.dma_semaphore, #tpu.memory_space<semaphore_mem>>)
        %dma_wait3A = arith.constant 0 : i32
        %dma_wait3A_21 = tpu.memref_slice %arg5[%arg0, %dma_wait3A] : memref<2x10000xf32, #tpu.memory_space<hbm>> -> memref<1x10000xf32, #tpu.memory_space<hbm>>
        %dma_wait3A_22 = tpu.memref_squeeze %dma_wait3A_21 : memref<1x10000xf32, #tpu.memory_space<hbm>> -> memref<10000xf32, #tpu.memory_space<hbm>>
        %dma_wait3A_23 = arith.constant 0 : i32
        %dma_wait3A_24 = tpu.memref_slice %arg5[%arg0, %dma_wait3A_23] : memref<2x10000xf32, #tpu.memory_space<hbm>> -> memref<1x10000xf32, #tpu.memory_space<hbm>>
        %dma_wait3A_25 = tpu.memref_squeeze %dma_wait3A_24 : memref<1x10000xf32, #tpu.memory_space<hbm>> -> memref<10000xf32, #tpu.memory_space<hbm>>
        tpu.wait_dma2 semaphore(%run_scoped3A_15 : memref<!tpu.dma_semaphore, #tpu.memory_space<semaphore_mem>>) src(%arg7 : memref<10000xf32, #tpu.memory_space<vmem>>) dst(%dma_wait3A_25 : memref<10000xf32, #tpu.memory_space<hbm>>)
        tpu.yield
      }) : () -> ()
    } else {
    }
    return
  }
}

#map = affine_map<(d0, d1) -> (0, 0)>
#map1 = affine_map<(d0, d1) -> (0, 0, 0, 0)>
#map2 = affine_map<(d0, d1) -> (0, 0, 0)>
module attributes {stable_mosaic.version = 14 : i64} {
  func.func @_edge_kernel(%arg0: i32, %arg1: i32, %arg2: memref<10000x128xf32, #tpu.memory_space<hbm>>, %arg3: memref<32x5x25x80xi32, #tpu.memory_space<hbm>>, %arg4: memref<32x5x25x80xi32, #tpu.memory_space<hbm>>, %arg5: memref<80x128xf32, #tpu.memory_space<hbm>>, %arg6: memref<2x10000x128xf32, #tpu.memory_space<hbm>>, %arg7: memref<25x80xi32, #tpu.memory_space<vmem>>, %arg8: memref<25x80xi32, #tpu.memory_space<vmem>>, %arg9: memref<80x128xf32, #tpu.memory_space<vmem>>, %arg10: memref<80x128xf32, #tpu.memory_space<vmem>>, %arg11: memref<80x128xf32, #tpu.memory_space<vmem>>, %arg12: memref<80x128xf32, #tpu.memory_space<vmem>>, %arg13: memref<10000x128xf32, #tpu.memory_space<vmem_shared>>, %arg14: memref<!tpu.dma_semaphore, #tpu.memory_space<semaphore_mem>>, %arg15: memref<!tpu.dma_semaphore, #tpu.memory_space<semaphore_mem>>, %arg16: memref<!tpu.dma_semaphore, #tpu.memory_space<semaphore_mem>>, %arg17: memref<!tpu.dma_semaphore, #tpu.memory_space<semaphore_mem>>) attributes {dimension_semantics = [#tpu.dimension_semantics<core_parallel>, #tpu.dimension_semantics<subcore_parallel>], iteration_bounds = array<i64: 2, 16>, scalar_prefetch = 0 : i64, scratch_operands = 11 : i64, tpu.core_type = #tpu.core_type<sc_vector_subcore>, window_params = [{transform_indices = #map}, {transform_indices = #map1}, {transform_indices = #map1}, {transform_indices = #map}, {transform_indices = #map2}]} {
    %mul3A = arith.constant 640 : i32
    %mul3A_0 = arith.muli %arg1, %mul3A : i32
    %multiple_of3A = tpu.assume_multiple %mul3A_0, 8 : i32
    %eq3A = arith.constant 15 : i32
    %eq3A_1 = arith.cmpi eq, %arg1, %eq3A : i32
    %jit3A = arith.constant 5 : i32
    %jit3A_2 = arith.constant 8 : i32
    %select_n3A = arith.select %eq3A_1, %jit3A, %jit3A_2 : i32
    "tpu.region"() ({
      %run_scoped3A = tpu.sem_alloc : memref<!tpu.dma_semaphore, #tpu.memory_space<semaphore_mem>>
      tpu.enqueue_dma source(%arg5 : memref<80x128xf32, #tpu.memory_space<hbm>>) target(%arg9 : memref<80x128xf32, #tpu.memory_space<vmem>>) target_semaphore(%run_scoped3A : memref<!tpu.dma_semaphore, #tpu.memory_space<semaphore_mem>>)
      tpu.wait_dma2 semaphore(%run_scoped3A : memref<!tpu.dma_semaphore, #tpu.memory_space<semaphore_mem>>) src(%arg5 : memref<80x128xf32, #tpu.memory_space<hbm>>) dst(%arg9 : memref<80x128xf32, #tpu.memory_space<vmem>>)
      tpu.yield
    }) : () -> ()
    %while3A = arith.constant 0 : i32
    %while3A_3 = arith.constant 0 : i32
    %while3A_4 = arith.subi %select_n3A, %while3A : i32
    %while3A_5 = arith.addi %while3A, %while3A_4 : i32
    %while3A_6 = arith.constant 1 : i32
    %while3A_7 = arith.divsi %while3A_4, %while3A_6 : i32
    %while3A_8 = arith.muli %while3A_7, %while3A_6 : i32
    %while3A_9 = arith.addi %while3A, %while3A_8 : i32
    %while3A_10 = arith.constant 1 : i32
    %while3A_11 = scf.for %while3A_35 = %while3A to %while3A_9 step %while3A_10 iter_args(%while3A_36 = %while3A_3) -> (i32)  : i32 {
      %mul3A_37 = arith.constant 80 : i32
      %mul3A_38 = arith.muli %while3A_35, %mul3A_37 : i32
      %add3A_39 = arith.addi %multiple_of3A, %mul3A_38 : i32
      %multiple_of3A_40 = tpu.assume_multiple %add3A_39, 8 : i32
      "tpu.region"() ({
        %run_scoped3A = tpu.sem_alloc : memref<!tpu.dma_semaphore, #tpu.memory_space<semaphore_mem>>
        %dma_start3A = arith.constant 0 : i32
        %dma_start3A_42 = tpu.memref_slice %arg13[%multiple_of3A_40, %dma_start3A] : memref<10000x128xf32, #tpu.memory_space<vmem_shared>> -> memref<80x128xf32, #tpu.memory_space<vmem_shared>>
        %dma_start3A_43 = arith.constant 0 : i32
        %dma_start3A_44 = tpu.memref_slice %arg13[%multiple_of3A_40, %dma_start3A_43] : memref<10000x128xf32, #tpu.memory_space<vmem_shared>> -> memref<80x128xf32, #tpu.memory_space<vmem_shared>>
        tpu.enqueue_dma source(%arg9 : memref<80x128xf32, #tpu.memory_space<vmem>>) target(%dma_start3A_44 : memref<80x128xf32, #tpu.memory_space<vmem_shared>>) target_semaphore(%run_scoped3A : memref<!tpu.dma_semaphore, #tpu.memory_space<semaphore_mem>>)
        %dma_wait3A = arith.constant 0 : i32
        %dma_wait3A_45 = tpu.memref_slice %arg13[%multiple_of3A_40, %dma_wait3A] : memref<10000x128xf32, #tpu.memory_space<vmem_shared>> -> memref<80x128xf32, #tpu.memory_space<vmem_shared>>
        %dma_wait3A_46 = arith.constant 0 : i32
        %dma_wait3A_47 = tpu.memref_slice %arg13[%multiple_of3A_40, %dma_wait3A_46] : memref<10000x128xf32, #tpu.memory_space<vmem_shared>> -> memref<80x128xf32, #tpu.memory_space<vmem_shared>>
        tpu.wait_dma2 semaphore(%run_scoped3A : memref<!tpu.dma_semaphore, #tpu.memory_space<semaphore_mem>>) src(%arg9 : memref<80x128xf32, #tpu.memory_space<vmem>>) dst(%dma_wait3A_47 : memref<80x128xf32, #tpu.memory_space<vmem_shared>>)
        tpu.yield
      }) : () -> ()
      %while3A_41 = arith.constant 0 : i32
      scf.yield %while3A_41 : i32
    }
    %while3A_12 = arith.constant 1 : i32
    %while3A_13 = scf.for %while3A_35 = %while3A_9 to %while3A_5 step %while3A_12 iter_args(%while3A_36 = %while3A_11) -> (i32)  : i32 {
      %mul3A_37 = arith.constant 80 : i32
      %mul3A_38 = arith.muli %while3A_35, %mul3A_37 : i32
      %add3A_39 = arith.addi %multiple_of3A, %mul3A_38 : i32
      %multiple_of3A_40 = tpu.assume_multiple %add3A_39, 8 : i32
      "tpu.region"() ({
        %run_scoped3A = tpu.sem_alloc : memref<!tpu.dma_semaphore, #tpu.memory_space<semaphore_mem>>
        %dma_start3A = arith.constant 0 : i32
        %dma_start3A_42 = tpu.memref_slice %arg13[%multiple_of3A_40, %dma_start3A] : memref<10000x128xf32, #tpu.memory_space<vmem_shared>> -> memref<80x128xf32, #tpu.memory_space<vmem_shared>>
        %dma_start3A_43 = arith.constant 0 : i32
        %dma_start3A_44 = tpu.memref_slice %arg13[%multiple_of3A_40, %dma_start3A_43] : memref<10000x128xf32, #tpu.memory_space<vmem_shared>> -> memref<80x128xf32, #tpu.memory_space<vmem_shared>>
        tpu.enqueue_dma source(%arg9 : memref<80x128xf32, #tpu.memory_space<vmem>>) target(%dma_start3A_44 : memref<80x128xf32, #tpu.memory_space<vmem_shared>>) target_semaphore(%run_scoped3A : memref<!tpu.dma_semaphore, #tpu.memory_space<semaphore_mem>>)
        %dma_wait3A = arith.constant 0 : i32
        %dma_wait3A_45 = tpu.memref_slice %arg13[%multiple_of3A_40, %dma_wait3A] : memref<10000x128xf32, #tpu.memory_space<vmem_shared>> -> memref<80x128xf32, #tpu.memory_space<vmem_shared>>
        %dma_wait3A_46 = arith.constant 0 : i32
        %dma_wait3A_47 = tpu.memref_slice %arg13[%multiple_of3A_40, %dma_wait3A_46] : memref<10000x128xf32, #tpu.memory_space<vmem_shared>> -> memref<80x128xf32, #tpu.memory_space<vmem_shared>>
        tpu.wait_dma2 semaphore(%run_scoped3A : memref<!tpu.dma_semaphore, #tpu.memory_space<semaphore_mem>>) src(%arg9 : memref<80x128xf32, #tpu.memory_space<vmem>>) dst(%dma_wait3A_47 : memref<80x128xf32, #tpu.memory_space<vmem_shared>>)
        tpu.yield
      }) : () -> ()
      %while3A_41 = arith.constant 0 : i32
      scf.yield %while3A_41 : i32
    }
    %mul3A_14 = arith.constant 2 : i32
    %mul3A_15 = arith.muli %arg1, %mul3A_14 : i32
    %add3A = arith.addi %mul3A_15, %arg0 : i32
    %barrier3A = arith.constant 0 : index
    tpu.barrier barrier_id(%barrier3A)
    %scan3A = arith.constant 0 : i32
    %scan3A_16 = arith.constant 0 : i32
    %scan3A_17 = arith.constant 5 : i32
    %scan3A_18 = arith.addi %scan3A_16, %scan3A_17 : i32
    %scan3A_19 = arith.constant 1 : i32
    %scan3A_20 = scf.for %scan3A_35 = %scan3A_16 to %scan3A_18 step %scan3A_19 iter_args(%scan3A_36 = %scan3A) -> (i32)  : i32 {
      "tpu.region"() ({
        %run_scoped3A_205 = tpu.sem_alloc : memref<!tpu.dma_semaphore, #tpu.memory_space<semaphore_mem>>
        %dma_start3A_206 = arith.constant 0 : i32
        %dma_start3A_207 = arith.constant 0 : i32
        %dma_start3A_208 = arith.constant 0 : i32
        %dma_start3A_209 = tpu.memref_slice %arg3[%add3A, %dma_start3A_206, %dma_start3A_207, %dma_start3A_208] : memref<32x5x25x80xi32, #tpu.memory_space<hbm>> -> memref<1x5x25x80xi32, #tpu.memory_space<hbm>>
        %dma_start3A_210 = tpu.memref_squeeze %dma_start3A_209 : memref<1x5x25x80xi32, #tpu.memory_space<hbm>> -> memref<5x25x80xi32, #tpu.memory_space<hbm>>
        %dma_start3A_211 = arith.constant 0 : i32
        %dma_start3A_212 = arith.constant 0 : i32
        %dma_start3A_213 = tpu.memref_slice %dma_start3A_210[%scan3A_35, %dma_start3A_211, %dma_start3A_212] : memref<5x25x80xi32, #tpu.memory_space<hbm>> -> memref<1x25x80xi32, #tpu.memory_space<hbm>>
        %dma_start3A_214 = tpu.memref_squeeze %dma_start3A_213 : memref<1x25x80xi32, #tpu.memory_space<hbm>> -> memref<25x80xi32, #tpu.memory_space<hbm>>
        %dma_start3A_215 = arith.constant 0 : i32
        %dma_start3A_216 = arith.constant 0 : i32
        %dma_start3A_217 = arith.constant 0 : i32
        %dma_start3A_218 = tpu.memref_slice %arg3[%add3A, %dma_start3A_215, %dma_start3A_216, %dma_start3A_217] : memref<32x5x25x80xi32, #tpu.memory_space<hbm>> -> memref<1x5x25x80xi32, #tpu.memory_space<hbm>>
        %dma_start3A_219 = tpu.memref_squeeze %dma_start3A_218 : memref<1x5x25x80xi32, #tpu.memory_space<hbm>> -> memref<5x25x80xi32, #tpu.memory_space<hbm>>
        %dma_start3A_220 = arith.constant 0 : i32
        %dma_start3A_221 = arith.constant 0 : i32
        %dma_start3A_222 = tpu.memref_slice %dma_start3A_219[%scan3A_35, %dma_start3A_220, %dma_start3A_221] : memref<5x25x80xi32, #tpu.memory_space<hbm>> -> memref<1x25x80xi32, #tpu.memory_space<hbm>>
        %dma_start3A_223 = tpu.memref_squeeze %dma_start3A_222 : memref<1x25x80xi32, #tpu.memory_space<hbm>> -> memref<25x80xi32, #tpu.memory_space<hbm>>
        tpu.enqueue_dma source(%dma_start3A_223 : memref<25x80xi32, #tpu.memory_space<hbm>>) target(%arg7 : memref<25x80xi32, #tpu.memory_space<vmem>>) target_semaphore(%run_scoped3A_205 : memref<!tpu.dma_semaphore, #tpu.memory_space<semaphore_mem>>)
        %dma_wait3A_224 = arith.constant 0 : i32
        %dma_wait3A_225 = arith.constant 0 : i32
        %dma_wait3A_226 = arith.constant 0 : i32
        %dma_wait3A_227 = tpu.memref_slice %arg3[%add3A, %dma_wait3A_224, %dma_wait3A_225, %dma_wait3A_226] : memref<32x5x25x80xi32, #tpu.memory_space<hbm>> -> memref<1x5x25x80xi32, #tpu.memory_space<hbm>>
        %dma_wait3A_228 = tpu.memref_squeeze %dma_wait3A_227 : memref<1x5x25x80xi32, #tpu.memory_space<hbm>> -> memref<5x25x80xi32, #tpu.memory_space<hbm>>
        %dma_wait3A_229 = arith.constant 0 : i32
        %dma_wait3A_230 = arith.constant 0 : i32
        %dma_wait3A_231 = tpu.memref_slice %dma_wait3A_228[%scan3A_35, %dma_wait3A_229, %dma_wait3A_230] : memref<5x25x80xi32, #tpu.memory_space<hbm>> -> memref<1x25x80xi32, #tpu.memory_space<hbm>>
        %dma_wait3A_232 = tpu.memref_squeeze %dma_wait3A_231 : memref<1x25x80xi32, #tpu.memory_space<hbm>> -> memref<25x80xi32, #tpu.memory_space<hbm>>
        %dma_wait3A_233 = arith.constant 0 : i32
        %dma_wait3A_234 = arith.constant 0 : i32
        %dma_wait3A_235 = arith.constant 0 : i32
        %dma_wait3A_236 = tpu.memref_slice %arg3[%add3A, %dma_wait3A_233, %dma_wait3A_234, %dma_wait3A_235] : memref<32x5x25x80xi32, #tpu.memory_space<hbm>> -> memref<1x5x25x80xi32, #tpu.memory_space<hbm>>
        %dma_wait3A_237 = tpu.memref_squeeze %dma_wait3A_236 : memref<1x5x25x80xi32, #tpu.memory_space<hbm>> -> memref<5x25x80xi32, #tpu.memory_space<hbm>>
        %dma_wait3A_238 = arith.constant 0 : i32
        %dma_wait3A_239 = arith.constant 0 : i32
        %dma_wait3A_240 = tpu.memref_slice %dma_wait3A_237[%scan3A_35, %dma_wait3A_238, %dma_wait3A_239] : memref<5x25x80xi32, #tpu.memory_space<hbm>> -> memref<1x25x80xi32, #tpu.memory_space<hbm>>
        %dma_wait3A_241 = tpu.memref_squeeze %dma_wait3A_240 : memref<1x25x80xi32, #tpu.memory_space<hbm>> -> memref<25x80xi32, #tpu.memory_space<hbm>>
        tpu.wait_dma2 semaphore(%run_scoped3A_205 : memref<!tpu.dma_semaphore, #tpu.memory_space<semaphore_mem>>) src(%dma_wait3A_241 : memref<25x80xi32, #tpu.memory_space<hbm>>) dst(%arg7 : memref<25x80xi32, #tpu.memory_space<vmem>>)
        tpu.yield
      }) : () -> ()
      %dma_start3A = arith.constant 0 : i32
      %dma_start3A_37 = arith.constant 0 : i32
      %dma_start3A_38 = arith.constant 0 : i32
      %dma_start3A_39 = tpu.memref_slice %arg4[%add3A, %dma_start3A, %dma_start3A_37, %dma_start3A_38] : memref<32x5x25x80xi32, #tpu.memory_space<hbm>> -> memref<1x5x25x80xi32, #tpu.memory_space<hbm>>
      %dma_start3A_40 = tpu.memref_squeeze %dma_start3A_39 : memref<1x5x25x80xi32, #tpu.memory_space<hbm>> -> memref<5x25x80xi32, #tpu.memory_space<hbm>>
      %dma_start3A_41 = arith.constant 0 : i32
      %dma_start3A_42 = arith.constant 0 : i32
      %dma_start3A_43 = tpu.memref_slice %dma_start3A_40[%scan3A_35, %dma_start3A_41, %dma_start3A_42] : memref<5x25x80xi32, #tpu.memory_space<hbm>> -> memref<1x25x80xi32, #tpu.memory_space<hbm>>
      %dma_start3A_44 = tpu.memref_squeeze %dma_start3A_43 : memref<1x25x80xi32, #tpu.memory_space<hbm>> -> memref<25x80xi32, #tpu.memory_space<hbm>>
      %dma_start3A_45 = arith.constant 0 : i32
      %dma_start3A_46 = arith.constant 0 : i32
      %dma_start3A_47 = arith.constant 0 : i32
      %dma_start3A_48 = tpu.memref_slice %arg4[%add3A, %dma_start3A_45, %dma_start3A_46, %dma_start3A_47] : memref<32x5x25x80xi32, #tpu.memory_space<hbm>> -> memref<1x5x25x80xi32, #tpu.memory_space<hbm>>
      %dma_start3A_49 = tpu.memref_squeeze %dma_start3A_48 : memref<1x5x25x80xi32, #tpu.memory_space<hbm>> -> memref<5x25x80xi32, #tpu.memory_space<hbm>>
      %dma_start3A_50 = arith.constant 0 : i32
      %dma_start3A_51 = arith.constant 0 : i32
      %dma_start3A_52 = tpu.memref_slice %dma_start3A_49[%scan3A_35, %dma_start3A_50, %dma_start3A_51] : memref<5x25x80xi32, #tpu.memory_space<hbm>> -> memref<1x25x80xi32, #tpu.memory_space<hbm>>
      %dma_start3A_53 = tpu.memref_squeeze %dma_start3A_52 : memref<1x25x80xi32, #tpu.memory_space<hbm>> -> memref<25x80xi32, #tpu.memory_space<hbm>>
      tpu.enqueue_dma source(%dma_start3A_53 : memref<25x80xi32, #tpu.memory_space<hbm>>) target(%arg8 : memref<25x80xi32, #tpu.memory_space<vmem>>) target_semaphore(%arg16 : memref<!tpu.dma_semaphore, #tpu.memory_space<semaphore_mem>>)
      %dma_start3A_54 = arith.constant 0 : i32
      %dma_start3A_55 = arith.constant 0 : i32
      %dma_start3A_56 = tpu.memref_slice %arg7[%dma_start3A_54, %dma_start3A_55] : memref<25x80xi32, #tpu.memory_space<vmem>> -> memref<1x80xi32, #tpu.memory_space<vmem>>
      %dma_start3A_57 = tpu.memref_squeeze %dma_start3A_56 : memref<1x80xi32, #tpu.memory_space<vmem>> -> memref<80xi32, #tpu.memory_space<vmem>>
      %dma_start3A_58 = arith.constant 0 : i32
      %dma_start3A_59 = arith.constant 0 : i32
      %dma_start3A_60 = tpu.memref_slice %arg2[%dma_start3A_58, %dma_start3A_59] : memref<10000x128xf32, #tpu.memory_space<hbm>> -> memref<10000x128xf32, #tpu.memory_space<hbm>>
      tpu.enqueue_indirect_dma source(%dma_start3A_60 : memref<10000x128xf32, #tpu.memory_space<hbm>>) target(%arg9 : memref<80x128xf32, #tpu.memory_space<vmem>>) offsets(%dma_start3A_57 : memref<80xi32, #tpu.memory_space<vmem>>) semaphore(%arg14 : memref<!tpu.dma_semaphore, #tpu.memory_space<semaphore_mem>>)
      %dma_start3A_61 = arith.constant 1 : i32
      %dma_start3A_62 = arith.constant 0 : i32
      %dma_start3A_63 = tpu.memref_slice %arg7[%dma_start3A_61, %dma_start3A_62] : memref<25x80xi32, #tpu.memory_space<vmem>> -> memref<1x80xi32, #tpu.memory_space<vmem>>
      %dma_start3A_64 = tpu.memref_squeeze %dma_start3A_63 : memref<1x80xi32, #tpu.memory_space<vmem>> -> memref<80xi32, #tpu.memory_space<vmem>>
      %dma_start3A_65 = arith.constant 0 : i32
      %dma_start3A_66 = arith.constant 0 : i32
      %dma_start3A_67 = tpu.memref_slice %arg2[%dma_start3A_65, %dma_start3A_66] : memref<10000x128xf32, #tpu.memory_space<hbm>> -> memref<10000x128xf32, #tpu.memory_space<hbm>>
      tpu.enqueue_indirect_dma source(%dma_start3A_67 : memref<10000x128xf32, #tpu.memory_space<hbm>>) target(%arg10 : memref<80x128xf32, #tpu.memory_space<vmem>>) offsets(%dma_start3A_64 : memref<80xi32, #tpu.memory_space<vmem>>) semaphore(%arg15 : memref<!tpu.dma_semaphore, #tpu.memory_space<semaphore_mem>>)
      %dma_wait3A = arith.constant 0 : i32
      %dma_wait3A_68 = arith.constant 0 : i32
      %dma_wait3A_69 = tpu.memref_slice %arg7[%dma_wait3A, %dma_wait3A_68] : memref<25x80xi32, #tpu.memory_space<vmem>> -> memref<1x80xi32, #tpu.memory_space<vmem>>
      %dma_wait3A_70 = tpu.memref_squeeze %dma_wait3A_69 : memref<1x80xi32, #tpu.memory_space<vmem>> -> memref<80xi32, #tpu.memory_space<vmem>>
      %dma_wait3A_71 = arith.constant 0 : i32
      %dma_wait3A_72 = arith.constant 0 : i32
      %dma_wait3A_73 = tpu.memref_slice %arg2[%dma_wait3A_71, %dma_wait3A_72] : memref<10000x128xf32, #tpu.memory_space<hbm>> -> memref<10000x128xf32, #tpu.memory_space<hbm>>
      tpu.wait_indirect_dma semaphore(%arg14 : memref<!tpu.dma_semaphore, #tpu.memory_space<semaphore_mem>>) src(%dma_wait3A_73 : memref<10000x128xf32, #tpu.memory_space<hbm>>) dst(%arg9 : memref<80x128xf32, #tpu.memory_space<vmem>>)
      %dma_wait3A_74 = arith.constant 1 : i32
      %dma_wait3A_75 = arith.constant 0 : i32
      %dma_wait3A_76 = tpu.memref_slice %arg7[%dma_wait3A_74, %dma_wait3A_75] : memref<25x80xi32, #tpu.memory_space<vmem>> -> memref<1x80xi32, #tpu.memory_space<vmem>>
      %dma_wait3A_77 = tpu.memref_squeeze %dma_wait3A_76 : memref<1x80xi32, #tpu.memory_space<vmem>> -> memref<80xi32, #tpu.memory_space<vmem>>
      %dma_wait3A_78 = arith.constant 0 : i32
      %dma_wait3A_79 = arith.constant 0 : i32
      %dma_wait3A_80 = tpu.memref_slice %arg2[%dma_wait3A_78, %dma_wait3A_79] : memref<10000x128xf32, #tpu.memory_space<hbm>> -> memref<10000x128xf32, #tpu.memory_space<hbm>>
      tpu.wait_indirect_dma semaphore(%arg15 : memref<!tpu.dma_semaphore, #tpu.memory_space<semaphore_mem>>) src(%dma_wait3A_80 : memref<10000x128xf32, #tpu.memory_space<hbm>>) dst(%arg10 : memref<80x128xf32, #tpu.memory_space<vmem>>)
      %dma_wait3A_81 = arith.constant 0 : i32
      %dma_wait3A_82 = arith.constant 0 : i32
      %dma_wait3A_83 = arith.constant 0 : i32
      %dma_wait3A_84 = tpu.memref_slice %arg4[%add3A, %dma_wait3A_81, %dma_wait3A_82, %dma_wait3A_83] : memref<32x5x25x80xi32, #tpu.memory_space<hbm>> -> memref<1x5x25x80xi32, #tpu.memory_space<hbm>>
      %dma_wait3A_85 = tpu.memref_squeeze %dma_wait3A_84 : memref<1x5x25x80xi32, #tpu.memory_space<hbm>> -> memref<5x25x80xi32, #tpu.memory_space<hbm>>
      %dma_wait3A_86 = arith.constant 0 : i32
      %dma_wait3A_87 = arith.constant 0 : i32
      %dma_wait3A_88 = tpu.memref_slice %dma_wait3A_85[%scan3A_35, %dma_wait3A_86, %dma_wait3A_87] : memref<5x25x80xi32, #tpu.memory_space<hbm>> -> memref<1x25x80xi32, #tpu.memory_space<hbm>>
      %dma_wait3A_89 = tpu.memref_squeeze %dma_wait3A_88 : memref<1x25x80xi32, #tpu.memory_space<hbm>> -> memref<25x80xi32, #tpu.memory_space<hbm>>
      %dma_wait3A_90 = arith.constant 0 : i32
      %dma_wait3A_91 = arith.constant 0 : i32
      %dma_wait3A_92 = arith.constant 0 : i32
      %dma_wait3A_93 = tpu.memref_slice %arg4[%add3A, %dma_wait3A_90, %dma_wait3A_91, %dma_wait3A_92] : memref<32x5x25x80xi32, #tpu.memory_space<hbm>> -> memref<1x5x25x80xi32, #tpu.memory_space<hbm>>
      %dma_wait3A_94 = tpu.memref_squeeze %dma_wait3A_93 : memref<1x5x25x80xi32, #tpu.memory_space<hbm>> -> memref<5x25x80xi32, #tpu.memory_space<hbm>>
      %dma_wait3A_95 = arith.constant 0 : i32
      %dma_wait3A_96 = arith.constant 0 : i32
      %dma_wait3A_97 = tpu.memref_slice %dma_wait3A_94[%scan3A_35, %dma_wait3A_95, %dma_wait3A_96] : memref<5x25x80xi32, #tpu.memory_space<hbm>> -> memref<1x25x80xi32, #tpu.memory_space<hbm>>
      %dma_wait3A_98 = tpu.memref_squeeze %dma_wait3A_97 : memref<1x25x80xi32, #tpu.memory_space<hbm>> -> memref<25x80xi32, #tpu.memory_space<hbm>>
      tpu.wait_dma2 semaphore(%arg16 : memref<!tpu.dma_semaphore, #tpu.memory_space<semaphore_mem>>) src(%dma_wait3A_98 : memref<25x80xi32, #tpu.memory_space<hbm>>) dst(%arg8 : memref<25x80xi32, #tpu.memory_space<vmem>>)
      %scan3A_99 = arith.constant 0 : i32
      %scan3A_100 = arith.constant 0 : i32
      %scan3A_101 = arith.constant 5 : i32
      %scan3A_102 = arith.addi %scan3A_100, %scan3A_101 : i32
      %scan3A_103 = arith.constant 1 : i32
      %scan3A_104 = scf.for %scan3A_205 = %scan3A_100 to %scan3A_102 step %scan3A_103 iter_args(%scan3A_206 = %scan3A_99) -> (i32)  : i32 {
        %mul3A_207 = arith.constant 4 : i32
        %mul3A_208 = arith.muli %mul3A_207, %scan3A_205 : i32
        %dma_start3A_209 = arith.constant 0 : i32
        %dma_start3A_210 = tpu.memref_slice %arg8[%mul3A_208, %dma_start3A_209] : memref<25x80xi32, #tpu.memory_space<vmem>> -> memref<1x80xi32, #tpu.memory_space<vmem>>
        %dma_start3A_211 = tpu.memref_squeeze %dma_start3A_210 : memref<1x80xi32, #tpu.memory_space<vmem>> -> memref<80xi32, #tpu.memory_space<vmem>>
        %dma_start3A_212 = arith.constant 0 : i32
        %dma_start3A_213 = arith.constant 0 : i32
        %dma_start3A_214 = tpu.memref_slice %arg13[%dma_start3A_212, %dma_start3A_213] : memref<10000x128xf32, #tpu.memory_space<vmem_shared>> -> memref<10000x128xf32, #tpu.memory_space<vmem_shared>>
        tpu.enqueue_indirect_dma source(%arg9 : memref<80x128xf32, #tpu.memory_space<vmem>>) target(%dma_start3A_214 : memref<10000x128xf32, #tpu.memory_space<vmem_shared>>) offsets(%dma_start3A_211 : memref<80xi32, #tpu.memory_space<vmem>>) semaphore(%arg14 : memref<!tpu.dma_semaphore, #tpu.memory_space<semaphore_mem>>) {add = true}
        %mul3A_215 = arith.constant 4 : i32
        %mul3A_216 = arith.muli %mul3A_215, %scan3A_205 : i32
        %add3A_217 = arith.constant 1 : i32
        %add3A_218 = arith.addi %mul3A_216, %add3A_217 : i32
        %dma_start3A_219 = arith.constant 0 : i32
        %dma_start3A_220 = tpu.memref_slice %arg8[%add3A_218, %dma_start3A_219] : memref<25x80xi32, #tpu.memory_space<vmem>> -> memref<1x80xi32, #tpu.memory_space<vmem>>
        %dma_start3A_221 = tpu.memref_squeeze %dma_start3A_220 : memref<1x80xi32, #tpu.memory_space<vmem>> -> memref<80xi32, #tpu.memory_space<vmem>>
        %dma_start3A_222 = arith.constant 0 : i32
        %dma_start3A_223 = arith.constant 0 : i32
        %dma_start3A_224 = tpu.memref_slice %arg13[%dma_start3A_222, %dma_start3A_223] : memref<10000x128xf32, #tpu.memory_space<vmem_shared>> -> memref<10000x128xf32, #tpu.memory_space<vmem_shared>>
        tpu.enqueue_indirect_dma source(%arg10 : memref<80x128xf32, #tpu.memory_space<vmem>>) target(%dma_start3A_224 : memref<10000x128xf32, #tpu.memory_space<vmem_shared>>) offsets(%dma_start3A_221 : memref<80xi32, #tpu.memory_space<vmem>>) semaphore(%arg15 : memref<!tpu.dma_semaphore, #tpu.memory_space<semaphore_mem>>) {add = true}
        %mul3A_225 = arith.constant 4 : i32
        %mul3A_226 = arith.muli %mul3A_225, %scan3A_205 : i32
        %add3A_227 = arith.constant 2 : i32
        %add3A_228 = arith.addi %mul3A_226, %add3A_227 : i32
        %dma_start3A_229 = arith.constant 0 : i32
        %dma_start3A_230 = tpu.memref_slice %arg7[%add3A_228, %dma_start3A_229] : memref<25x80xi32, #tpu.memory_space<vmem>> -> memref<1x80xi32, #tpu.memory_space<vmem>>
        %dma_start3A_231 = tpu.memref_squeeze %dma_start3A_230 : memref<1x80xi32, #tpu.memory_space<vmem>> -> memref<80xi32, #tpu.memory_space<vmem>>
        %dma_start3A_232 = arith.constant 0 : i32
        %dma_start3A_233 = arith.constant 0 : i32
        %dma_start3A_234 = tpu.memref_slice %arg2[%dma_start3A_232, %dma_start3A_233] : memref<10000x128xf32, #tpu.memory_space<hbm>> -> memref<10000x128xf32, #tpu.memory_space<hbm>>
        tpu.enqueue_indirect_dma source(%dma_start3A_234 : memref<10000x128xf32, #tpu.memory_space<hbm>>) target(%arg11 : memref<80x128xf32, #tpu.memory_space<vmem>>) offsets(%dma_start3A_231 : memref<80xi32, #tpu.memory_space<vmem>>) semaphore(%arg16 : memref<!tpu.dma_semaphore, #tpu.memory_space<semaphore_mem>>)
        %mul3A_235 = arith.constant 4 : i32
        %mul3A_236 = arith.muli %mul3A_235, %scan3A_205 : i32
        %add3A_237 = arith.constant 3 : i32
        %add3A_238 = arith.addi %mul3A_236, %add3A_237 : i32
        %dma_start3A_239 = arith.constant 0 : i32
        %dma_start3A_240 = tpu.memref_slice %arg7[%add3A_238, %dma_start3A_239] : memref<25x80xi32, #tpu.memory_space<vmem>> -> memref<1x80xi32, #tpu.memory_space<vmem>>
        %dma_start3A_241 = tpu.memref_squeeze %dma_start3A_240 : memref<1x80xi32, #tpu.memory_space<vmem>> -> memref<80xi32, #tpu.memory_space<vmem>>
        %dma_start3A_242 = arith.constant 0 : i32
        %dma_start3A_243 = arith.constant 0 : i32
        %dma_start3A_244 = tpu.memref_slice %arg2[%dma_start3A_242, %dma_start3A_243] : memref<10000x128xf32, #tpu.memory_space<hbm>> -> memref<10000x128xf32, #tpu.memory_space<hbm>>
        tpu.enqueue_indirect_dma source(%dma_start3A_244 : memref<10000x128xf32, #tpu.memory_space<hbm>>) target(%arg12 : memref<80x128xf32, #tpu.memory_space<vmem>>) offsets(%dma_start3A_241 : memref<80xi32, #tpu.memory_space<vmem>>) semaphore(%arg17 : memref<!tpu.dma_semaphore, #tpu.memory_space<semaphore_mem>>)
        %dma_wait3A_245 = arith.constant 0 : i32
        %dma_wait3A_246 = tpu.memref_slice %arg8[%mul3A_208, %dma_wait3A_245] : memref<25x80xi32, #tpu.memory_space<vmem>> -> memref<1x80xi32, #tpu.memory_space<vmem>>
        %dma_wait3A_247 = tpu.memref_squeeze %dma_wait3A_246 : memref<1x80xi32, #tpu.memory_space<vmem>> -> memref<80xi32, #tpu.memory_space<vmem>>
        %dma_wait3A_248 = arith.constant 0 : i32
        %dma_wait3A_249 = arith.constant 0 : i32
        %dma_wait3A_250 = tpu.memref_slice %arg13[%dma_wait3A_248, %dma_wait3A_249] : memref<10000x128xf32, #tpu.memory_space<vmem_shared>> -> memref<10000x128xf32, #tpu.memory_space<vmem_shared>>
        tpu.wait_indirect_dma semaphore(%arg14 : memref<!tpu.dma_semaphore, #tpu.memory_space<semaphore_mem>>) src(%arg9 : memref<80x128xf32, #tpu.memory_space<vmem>>) dst(%dma_wait3A_250 : memref<10000x128xf32, #tpu.memory_space<vmem_shared>>)
        %dma_wait3A_251 = arith.constant 0 : i32
        %dma_wait3A_252 = tpu.memref_slice %arg8[%add3A_218, %dma_wait3A_251] : memref<25x80xi32, #tpu.memory_space<vmem>> -> memref<1x80xi32, #tpu.memory_space<vmem>>
        %dma_wait3A_253 = tpu.memref_squeeze %dma_wait3A_252 : memref<1x80xi32, #tpu.memory_space<vmem>> -> memref<80xi32, #tpu.memory_space<vmem>>
        %dma_wait3A_254 = arith.constant 0 : i32
        %dma_wait3A_255 = arith.constant 0 : i32
        %dma_wait3A_256 = tpu.memref_slice %arg13[%dma_wait3A_254, %dma_wait3A_255] : memref<10000x128xf32, #tpu.memory_space<vmem_shared>> -> memref<10000x128xf32, #tpu.memory_space<vmem_shared>>
        tpu.wait_indirect_dma semaphore(%arg15 : memref<!tpu.dma_semaphore, #tpu.memory_space<semaphore_mem>>) src(%arg10 : memref<80x128xf32, #tpu.memory_space<vmem>>) dst(%dma_wait3A_256 : memref<10000x128xf32, #tpu.memory_space<vmem_shared>>)
        %dma_wait3A_257 = arith.constant 0 : i32
        %dma_wait3A_258 = tpu.memref_slice %arg7[%add3A_228, %dma_wait3A_257] : memref<25x80xi32, #tpu.memory_space<vmem>> -> memref<1x80xi32, #tpu.memory_space<vmem>>
        %dma_wait3A_259 = tpu.memref_squeeze %dma_wait3A_258 : memref<1x80xi32, #tpu.memory_space<vmem>> -> memref<80xi32, #tpu.memory_space<vmem>>
        %dma_wait3A_260 = arith.constant 0 : i32
        %dma_wait3A_261 = arith.constant 0 : i32
        %dma_wait3A_262 = tpu.memref_slice %arg2[%dma_wait3A_260, %dma_wait3A_261] : memref<10000x128xf32, #tpu.memory_space<hbm>> -> memref<10000x128xf32, #tpu.memory_space<hbm>>
        tpu.wait_indirect_dma semaphore(%arg16 : memref<!tpu.dma_semaphore, #tpu.memory_space<semaphore_mem>>) src(%dma_wait3A_262 : memref<10000x128xf32, #tpu.memory_space<hbm>>) dst(%arg11 : memref<80x128xf32, #tpu.memory_space<vmem>>)
        %dma_wait3A_263 = arith.constant 0 : i32
        %dma_wait3A_264 = tpu.memref_slice %arg7[%add3A_238, %dma_wait3A_263] : memref<25x80xi32, #tpu.memory_space<vmem>> -> memref<1x80xi32, #tpu.memory_space<vmem>>
        %dma_wait3A_265 = tpu.memref_squeeze %dma_wait3A_264 : memref<1x80xi32, #tpu.memory_space<vmem>> -> memref<80xi32, #tpu.memory_space<vmem>>
        %dma_wait3A_266 = arith.constant 0 : i32
        %dma_wait3A_267 = arith.constant 0 : i32
        %dma_wait3A_268 = tpu.memref_slice %arg2[%dma_wait3A_266, %dma_wait3A_267] : memref<10000x128xf32, #tpu.memory_space<hbm>> -> memref<10000x128xf32, #tpu.memory_space<hbm>>
        tpu.wait_indirect_dma semaphore(%arg17 : memref<!tpu.dma_semaphore, #tpu.memory_space<semaphore_mem>>) src(%dma_wait3A_268 : memref<10000x128xf32, #tpu.memory_space<hbm>>) dst(%arg12 : memref<80x128xf32, #tpu.memory_space<vmem>>)
        %mul3A_269 = arith.constant 4 : i32
        %mul3A_270 = arith.muli %mul3A_269, %scan3A_205 : i32
        %add3A_271 = arith.constant 2 : i32
        %add3A_272 = arith.addi %mul3A_270, %add3A_271 : i32
        %dma_start3A_273 = arith.constant 0 : i32
        %dma_start3A_274 = tpu.memref_slice %arg8[%add3A_272, %dma_start3A_273] : memref<25x80xi32, #tpu.memory_space<vmem>> -> memref<1x80xi32, #tpu.memory_space<vmem>>
        %dma_start3A_275 = tpu.memref_squeeze %dma_start3A_274 : memref<1x80xi32, #tpu.memory_space<vmem>> -> memref<80xi32, #tpu.memory_space<vmem>>
        %dma_start3A_276 = arith.constant 0 : i32
        %dma_start3A_277 = arith.constant 0 : i32
        %dma_start3A_278 = tpu.memref_slice %arg13[%dma_start3A_276, %dma_start3A_277] : memref<10000x128xf32, #tpu.memory_space<vmem_shared>> -> memref<10000x128xf32, #tpu.memory_space<vmem_shared>>
        tpu.enqueue_indirect_dma source(%arg11 : memref<80x128xf32, #tpu.memory_space<vmem>>) target(%dma_start3A_278 : memref<10000x128xf32, #tpu.memory_space<vmem_shared>>) offsets(%dma_start3A_275 : memref<80xi32, #tpu.memory_space<vmem>>) semaphore(%arg16 : memref<!tpu.dma_semaphore, #tpu.memory_space<semaphore_mem>>) {add = true}
        %mul3A_279 = arith.constant 4 : i32
        %mul3A_280 = arith.muli %mul3A_279, %scan3A_205 : i32
        %add3A_281 = arith.constant 3 : i32
        %add3A_282 = arith.addi %mul3A_280, %add3A_281 : i32
        %dma_start3A_283 = arith.constant 0 : i32
        %dma_start3A_284 = tpu.memref_slice %arg8[%add3A_282, %dma_start3A_283] : memref<25x80xi32, #tpu.memory_space<vmem>> -> memref<1x80xi32, #tpu.memory_space<vmem>>
        %dma_start3A_285 = tpu.memref_squeeze %dma_start3A_284 : memref<1x80xi32, #tpu.memory_space<vmem>> -> memref<80xi32, #tpu.memory_space<vmem>>
        %dma_start3A_286 = arith.constant 0 : i32
        %dma_start3A_287 = arith.constant 0 : i32
        %dma_start3A_288 = tpu.memref_slice %arg13[%dma_start3A_286, %dma_start3A_287] : memref<10000x128xf32, #tpu.memory_space<vmem_shared>> -> memref<10000x128xf32, #tpu.memory_space<vmem_shared>>
        tpu.enqueue_indirect_dma source(%arg12 : memref<80x128xf32, #tpu.memory_space<vmem>>) target(%dma_start3A_288 : memref<10000x128xf32, #tpu.memory_space<vmem_shared>>) offsets(%dma_start3A_285 : memref<80xi32, #tpu.memory_space<vmem>>) semaphore(%arg17 : memref<!tpu.dma_semaphore, #tpu.memory_space<semaphore_mem>>) {add = true}
        %mul3A_289 = arith.constant 4 : i32
        %mul3A_290 = arith.muli %mul3A_289, %scan3A_205 : i32
        %add3A_291 = arith.constant 4 : i32
        %add3A_292 = arith.addi %mul3A_290, %add3A_291 : i32
        %dma_start3A_293 = arith.constant 0 : i32
        %dma_start3A_294 = tpu.memref_slice %arg7[%add3A_292, %dma_start3A_293] : memref<25x80xi32, #tpu.memory_space<vmem>> -> memref<1x80xi32, #tpu.memory_space<vmem>>
        %dma_start3A_295 = tpu.memref_squeeze %dma_start3A_294 : memref<1x80xi32, #tpu.memory_space<vmem>> -> memref<80xi32, #tpu.memory_space<vmem>>
        %dma_start3A_296 = arith.constant 0 : i32
        %dma_start3A_297 = arith.constant 0 : i32
        %dma_start3A_298 = tpu.memref_slice %arg2[%dma_start3A_296, %dma_start3A_297] : memref<10000x128xf32, #tpu.memory_space<hbm>> -> memref<10000x128xf32, #tpu.memory_space<hbm>>
        tpu.enqueue_indirect_dma source(%dma_start3A_298 : memref<10000x128xf32, #tpu.memory_space<hbm>>) target(%arg9 : memref<80x128xf32, #tpu.memory_space<vmem>>) offsets(%dma_start3A_295 : memref<80xi32, #tpu.memory_space<vmem>>) semaphore(%arg14 : memref<!tpu.dma_semaphore, #tpu.memory_space<semaphore_mem>>)
        %mul3A_299 = arith.constant 4 : i32
        %mul3A_300 = arith.muli %mul3A_299, %scan3A_205 : i32
        %add3A_301 = arith.constant 5 : i32
        %add3A_302 = arith.addi %mul3A_300, %add3A_301 : i32
        %dma_start3A_303 = arith.constant 0 : i32
        %dma_start3A_304 = tpu.memref_slice %arg7[%add3A_302, %dma_start3A_303] : memref<25x80xi32, #tpu.memory_space<vmem>> -> memref<1x80xi32, #tpu.memory_space<vmem>>
        %dma_start3A_305 = tpu.memref_squeeze %dma_start3A_304 : memref<1x80xi32, #tpu.memory_space<vmem>> -> memref<80xi32, #tpu.memory_space<vmem>>
        %dma_start3A_306 = arith.constant 0 : i32
        %dma_start3A_307 = arith.constant 0 : i32
        %dma_start3A_308 = tpu.memref_slice %arg2[%dma_start3A_306, %dma_start3A_307] : memref<10000x128xf32, #tpu.memory_space<hbm>> -> memref<10000x128xf32, #tpu.memory_space<hbm>>
        tpu.enqueue_indirect_dma source(%dma_start3A_308 : memref<10000x128xf32, #tpu.memory_space<hbm>>) target(%arg10 : memref<80x128xf32, #tpu.memory_space<vmem>>) offsets(%dma_start3A_305 : memref<80xi32, #tpu.memory_space<vmem>>) semaphore(%arg15 : memref<!tpu.dma_semaphore, #tpu.memory_space<semaphore_mem>>)
        %dma_wait3A_309 = arith.constant 0 : i32
        %dma_wait3A_310 = tpu.memref_slice %arg8[%add3A_272, %dma_wait3A_309] : memref<25x80xi32, #tpu.memory_space<vmem>> -> memref<1x80xi32, #tpu.memory_space<vmem>>
        %dma_wait3A_311 = tpu.memref_squeeze %dma_wait3A_310 : memref<1x80xi32, #tpu.memory_space<vmem>> -> memref<80xi32, #tpu.memory_space<vmem>>
        %dma_wait3A_312 = arith.constant 0 : i32
        %dma_wait3A_313 = arith.constant 0 : i32
        %dma_wait3A_314 = tpu.memref_slice %arg13[%dma_wait3A_312, %dma_wait3A_313] : memref<10000x128xf32, #tpu.memory_space<vmem_shared>> -> memref<10000x128xf32, #tpu.memory_space<vmem_shared>>
        tpu.wait_indirect_dma semaphore(%arg16 : memref<!tpu.dma_semaphore, #tpu.memory_space<semaphore_mem>>) src(%arg11 : memref<80x128xf32, #tpu.memory_space<vmem>>) dst(%dma_wait3A_314 : memref<10000x128xf32, #tpu.memory_space<vmem_shared>>)
        %dma_wait3A_315 = arith.constant 0 : i32
        %dma_wait3A_316 = tpu.memref_slice %arg8[%add3A_282, %dma_wait3A_315] : memref<25x80xi32, #tpu.memory_space<vmem>> -> memref<1x80xi32, #tpu.memory_space<vmem>>
        %dma_wait3A_317 = tpu.memref_squeeze %dma_wait3A_316 : memref<1x80xi32, #tpu.memory_space<vmem>> -> memref<80xi32, #tpu.memory_space<vmem>>
        %dma_wait3A_318 = arith.constant 0 : i32
        %dma_wait3A_319 = arith.constant 0 : i32
        %dma_wait3A_320 = tpu.memref_slice %arg13[%dma_wait3A_318, %dma_wait3A_319] : memref<10000x128xf32, #tpu.memory_space<vmem_shared>> -> memref<10000x128xf32, #tpu.memory_space<vmem_shared>>
        tpu.wait_indirect_dma semaphore(%arg17 : memref<!tpu.dma_semaphore, #tpu.memory_space<semaphore_mem>>) src(%arg12 : memref<80x128xf32, #tpu.memory_space<vmem>>) dst(%dma_wait3A_320 : memref<10000x128xf32, #tpu.memory_space<vmem_shared>>)
        %dma_wait3A_321 = arith.constant 0 : i32
        %dma_wait3A_322 = tpu.memref_slice %arg7[%add3A_292, %dma_wait3A_321] : memref<25x80xi32, #tpu.memory_space<vmem>> -> memref<1x80xi32, #tpu.memory_space<vmem>>
        %dma_wait3A_323 = tpu.memref_squeeze %dma_wait3A_322 : memref<1x80xi32, #tpu.memory_space<vmem>> -> memref<80xi32, #tpu.memory_space<vmem>>
        %dma_wait3A_324 = arith.constant 0 : i32
        %dma_wait3A_325 = arith.constant 0 : i32
        %dma_wait3A_326 = tpu.memref_slice %arg2[%dma_wait3A_324, %dma_wait3A_325] : memref<10000x128xf32, #tpu.memory_space<hbm>> -> memref<10000x128xf32, #tpu.memory_space<hbm>>
        tpu.wait_indirect_dma semaphore(%arg14 : memref<!tpu.dma_semaphore, #tpu.memory_space<semaphore_mem>>) src(%dma_wait3A_326 : memref<10000x128xf32, #tpu.memory_space<hbm>>) dst(%arg9 : memref<80x128xf32, #tpu.memory_space<vmem>>)
        %dma_wait3A_327 = arith.constant 0 : i32
        %dma_wait3A_328 = tpu.memref_slice %arg7[%add3A_302, %dma_wait3A_327] : memref<25x80xi32, #tpu.memory_space<vmem>> -> memref<1x80xi32, #tpu.memory_space<vmem>>
        %dma_wait3A_329 = tpu.memref_squeeze %dma_wait3A_328 : memref<1x80xi32, #tpu.memory_space<vmem>> -> memref<80xi32, #tpu.memory_space<vmem>>
        %dma_wait3A_330 = arith.constant 0 : i32
        %dma_wait3A_331 = arith.constant 0 : i32
        %dma_wait3A_332 = tpu.memref_slice %arg2[%dma_wait3A_330, %dma_wait3A_331] : memref<10000x128xf32, #tpu.memory_space<hbm>> -> memref<10000x128xf32, #tpu.memory_space<hbm>>
        tpu.wait_indirect_dma semaphore(%arg15 : memref<!tpu.dma_semaphore, #tpu.memory_space<semaphore_mem>>) src(%dma_wait3A_332 : memref<10000x128xf32, #tpu.memory_space<hbm>>) dst(%arg10 : memref<80x128xf32, #tpu.memory_space<vmem>>)
        %scan3A_333 = arith.constant 0 : i32
        scf.yield %scan3A_333 : i32
      }
      %scan3A_105 = arith.constant 5 : i32
      %dma_start3A_106 = arith.constant 20 : i32
      %dma_start3A_107 = arith.constant 0 : i32
      %dma_start3A_108 = tpu.memref_slice %arg8[%dma_start3A_106, %dma_start3A_107] : memref<25x80xi32, #tpu.memory_space<vmem>> -> memref<1x80xi32, #tpu.memory_space<vmem>>
      %dma_start3A_109 = tpu.memref_squeeze %dma_start3A_108 : memref<1x80xi32, #tpu.memory_space<vmem>> -> memref<80xi32, #tpu.memory_space<vmem>>
      %dma_start3A_110 = arith.constant 0 : i32
      %dma_start3A_111 = arith.constant 0 : i32
      %dma_start3A_112 = tpu.memref_slice %arg13[%dma_start3A_110, %dma_start3A_111] : memref<10000x128xf32, #tpu.memory_space<vmem_shared>> -> memref<10000x128xf32, #tpu.memory_space<vmem_shared>>
      tpu.enqueue_indirect_dma source(%arg9 : memref<80x128xf32, #tpu.memory_space<vmem>>) target(%dma_start3A_112 : memref<10000x128xf32, #tpu.memory_space<vmem_shared>>) offsets(%dma_start3A_109 : memref<80xi32, #tpu.memory_space<vmem>>) semaphore(%arg14 : memref<!tpu.dma_semaphore, #tpu.memory_space<semaphore_mem>>) {add = true}
      %dma_start3A_113 = arith.constant 21 : i32
      %dma_start3A_114 = arith.constant 0 : i32
      %dma_start3A_115 = tpu.memref_slice %arg8[%dma_start3A_113, %dma_start3A_114] : memref<25x80xi32, #tpu.memory_space<vmem>> -> memref<1x80xi32, #tpu.memory_space<vmem>>
      %dma_start3A_116 = tpu.memref_squeeze %dma_start3A_115 : memref<1x80xi32, #tpu.memory_space<vmem>> -> memref<80xi32, #tpu.memory_space<vmem>>
      %dma_start3A_117 = arith.constant 0 : i32
      %dma_start3A_118 = arith.constant 0 : i32
      %dma_start3A_119 = tpu.memref_slice %arg13[%dma_start3A_117, %dma_start3A_118] : memref<10000x128xf32, #tpu.memory_space<vmem_shared>> -> memref<10000x128xf32, #tpu.memory_space<vmem_shared>>
      tpu.enqueue_indirect_dma source(%arg10 : memref<80x128xf32, #tpu.memory_space<vmem>>) target(%dma_start3A_119 : memref<10000x128xf32, #tpu.memory_space<vmem_shared>>) offsets(%dma_start3A_116 : memref<80xi32, #tpu.memory_space<vmem>>) semaphore(%arg15 : memref<!tpu.dma_semaphore, #tpu.memory_space<semaphore_mem>>) {add = true}
      %dma_start3A_120 = arith.constant 22 : i32
      %dma_start3A_121 = arith.constant 0 : i32
      %dma_start3A_122 = tpu.memref_slice %arg7[%dma_start3A_120, %dma_start3A_121] : memref<25x80xi32, #tpu.memory_space<vmem>> -> memref<1x80xi32, #tpu.memory_space<vmem>>
      %dma_start3A_123 = tpu.memref_squeeze %dma_start3A_122 : memref<1x80xi32, #tpu.memory_space<vmem>> -> memref<80xi32, #tpu.memory_space<vmem>>
      %dma_start3A_124 = arith.constant 0 : i32
      %dma_start3A_125 = arith.constant 0 : i32
      %dma_start3A_126 = tpu.memref_slice %arg2[%dma_start3A_124, %dma_start3A_125] : memref<10000x128xf32, #tpu.memory_space<hbm>> -> memref<10000x128xf32, #tpu.memory_space<hbm>>
      tpu.enqueue_indirect_dma source(%dma_start3A_126 : memref<10000x128xf32, #tpu.memory_space<hbm>>) target(%arg11 : memref<80x128xf32, #tpu.memory_space<vmem>>) offsets(%dma_start3A_123 : memref<80xi32, #tpu.memory_space<vmem>>) semaphore(%arg16 : memref<!tpu.dma_semaphore, #tpu.memory_space<semaphore_mem>>)
      %dma_start3A_127 = arith.constant 23 : i32
      %dma_start3A_128 = arith.constant 0 : i32
      %dma_start3A_129 = tpu.memref_slice %arg7[%dma_start3A_127, %dma_start3A_128] : memref<25x80xi32, #tpu.memory_space<vmem>> -> memref<1x80xi32, #tpu.memory_space<vmem>>
      %dma_start3A_130 = tpu.memref_squeeze %dma_start3A_129 : memref<1x80xi32, #tpu.memory_space<vmem>> -> memref<80xi32, #tpu.memory_space<vmem>>
      %dma_start3A_131 = arith.constant 0 : i32
      %dma_start3A_132 = arith.constant 0 : i32
      %dma_start3A_133 = tpu.memref_slice %arg2[%dma_start3A_131, %dma_start3A_132] : memref<10000x128xf32, #tpu.memory_space<hbm>> -> memref<10000x128xf32, #tpu.memory_space<hbm>>
      tpu.enqueue_indirect_dma source(%dma_start3A_133 : memref<10000x128xf32, #tpu.memory_space<hbm>>) target(%arg12 : memref<80x128xf32, #tpu.memory_space<vmem>>) offsets(%dma_start3A_130 : memref<80xi32, #tpu.memory_space<vmem>>) semaphore(%arg17 : memref<!tpu.dma_semaphore, #tpu.memory_space<semaphore_mem>>)
      %dma_wait3A_134 = arith.constant 20 : i32
      %dma_wait3A_135 = arith.constant 0 : i32
      %dma_wait3A_136 = tpu.memref_slice %arg8[%dma_wait3A_134, %dma_wait3A_135] : memref<25x80xi32, #tpu.memory_space<vmem>> -> memref<1x80xi32, #tpu.memory_space<vmem>>
      %dma_wait3A_137 = tpu.memref_squeeze %dma_wait3A_136 : memref<1x80xi32, #tpu.memory_space<vmem>> -> memref<80xi32, #tpu.memory_space<vmem>>
      %dma_wait3A_138 = arith.constant 0 : i32
      %dma_wait3A_139 = arith.constant 0 : i32
      %dma_wait3A_140 = tpu.memref_slice %arg13[%dma_wait3A_138, %dma_wait3A_139] : memref<10000x128xf32, #tpu.memory_space<vmem_shared>> -> memref<10000x128xf32, #tpu.memory_space<vmem_shared>>
      tpu.wait_indirect_dma semaphore(%arg14 : memref<!tpu.dma_semaphore, #tpu.memory_space<semaphore_mem>>) src(%arg9 : memref<80x128xf32, #tpu.memory_space<vmem>>) dst(%dma_wait3A_140 : memref<10000x128xf32, #tpu.memory_space<vmem_shared>>)
      %dma_wait3A_141 = arith.constant 21 : i32
      %dma_wait3A_142 = arith.constant 0 : i32
      %dma_wait3A_143 = tpu.memref_slice %arg8[%dma_wait3A_141, %dma_wait3A_142] : memref<25x80xi32, #tpu.memory_space<vmem>> -> memref<1x80xi32, #tpu.memory_space<vmem>>
      %dma_wait3A_144 = tpu.memref_squeeze %dma_wait3A_143 : memref<1x80xi32, #tpu.memory_space<vmem>> -> memref<80xi32, #tpu.memory_space<vmem>>
      %dma_wait3A_145 = arith.constant 0 : i32
      %dma_wait3A_146 = arith.constant 0 : i32
      %dma_wait3A_147 = tpu.memref_slice %arg13[%dma_wait3A_145, %dma_wait3A_146] : memref<10000x128xf32, #tpu.memory_space<vmem_shared>> -> memref<10000x128xf32, #tpu.memory_space<vmem_shared>>
      tpu.wait_indirect_dma semaphore(%arg15 : memref<!tpu.dma_semaphore, #tpu.memory_space<semaphore_mem>>) src(%arg10 : memref<80x128xf32, #tpu.memory_space<vmem>>) dst(%dma_wait3A_147 : memref<10000x128xf32, #tpu.memory_space<vmem_shared>>)
      %dma_wait3A_148 = arith.constant 22 : i32
      %dma_wait3A_149 = arith.constant 0 : i32
      %dma_wait3A_150 = tpu.memref_slice %arg7[%dma_wait3A_148, %dma_wait3A_149] : memref<25x80xi32, #tpu.memory_space<vmem>> -> memref<1x80xi32, #tpu.memory_space<vmem>>
      %dma_wait3A_151 = tpu.memref_squeeze %dma_wait3A_150 : memref<1x80xi32, #tpu.memory_space<vmem>> -> memref<80xi32, #tpu.memory_space<vmem>>
      %dma_wait3A_152 = arith.constant 0 : i32
      %dma_wait3A_153 = arith.constant 0 : i32
      %dma_wait3A_154 = tpu.memref_slice %arg2[%dma_wait3A_152, %dma_wait3A_153] : memref<10000x128xf32, #tpu.memory_space<hbm>> -> memref<10000x128xf32, #tpu.memory_space<hbm>>
      tpu.wait_indirect_dma semaphore(%arg16 : memref<!tpu.dma_semaphore, #tpu.memory_space<semaphore_mem>>) src(%dma_wait3A_154 : memref<10000x128xf32, #tpu.memory_space<hbm>>) dst(%arg11 : memref<80x128xf32, #tpu.memory_space<vmem>>)
      %dma_wait3A_155 = arith.constant 23 : i32
      %dma_wait3A_156 = arith.constant 0 : i32
      %dma_wait3A_157 = tpu.memref_slice %arg7[%dma_wait3A_155, %dma_wait3A_156] : memref<25x80xi32, #tpu.memory_space<vmem>> -> memref<1x80xi32, #tpu.memory_space<vmem>>
      %dma_wait3A_158 = tpu.memref_squeeze %dma_wait3A_157 : memref<1x80xi32, #tpu.memory_space<vmem>> -> memref<80xi32, #tpu.memory_space<vmem>>
      %dma_wait3A_159 = arith.constant 0 : i32
      %dma_wait3A_160 = arith.constant 0 : i32
      %dma_wait3A_161 = tpu.memref_slice %arg2[%dma_wait3A_159, %dma_wait3A_160] : memref<10000x128xf32, #tpu.memory_space<hbm>> -> memref<10000x128xf32, #tpu.memory_space<hbm>>
      tpu.wait_indirect_dma semaphore(%arg17 : memref<!tpu.dma_semaphore, #tpu.memory_space<semaphore_mem>>) src(%dma_wait3A_161 : memref<10000x128xf32, #tpu.memory_space<hbm>>) dst(%arg12 : memref<80x128xf32, #tpu.memory_space<vmem>>)
      %dma_start3A_162 = arith.constant 22 : i32
      %dma_start3A_163 = arith.constant 0 : i32
      %dma_start3A_164 = tpu.memref_slice %arg8[%dma_start3A_162, %dma_start3A_163] : memref<25x80xi32, #tpu.memory_space<vmem>> -> memref<1x80xi32, #tpu.memory_space<vmem>>
      %dma_start3A_165 = tpu.memref_squeeze %dma_start3A_164 : memref<1x80xi32, #tpu.memory_space<vmem>> -> memref<80xi32, #tpu.memory_space<vmem>>
      %dma_start3A_166 = arith.constant 0 : i32
      %dma_start3A_167 = arith.constant 0 : i32
      %dma_start3A_168 = tpu.memref_slice %arg13[%dma_start3A_166, %dma_start3A_167] : memref<10000x128xf32, #tpu.memory_space<vmem_shared>> -> memref<10000x128xf32, #tpu.memory_space<vmem_shared>>
      tpu.enqueue_indirect_dma source(%arg11 : memref<80x128xf32, #tpu.memory_space<vmem>>) target(%dma_start3A_168 : memref<10000x128xf32, #tpu.memory_space<vmem_shared>>) offsets(%dma_start3A_165 : memref<80xi32, #tpu.memory_space<vmem>>) semaphore(%arg16 : memref<!tpu.dma_semaphore, #tpu.memory_space<semaphore_mem>>) {add = true}
      %dma_start3A_169 = arith.constant 23 : i32
      %dma_start3A_170 = arith.constant 0 : i32
      %dma_start3A_171 = tpu.memref_slice %arg8[%dma_start3A_169, %dma_start3A_170] : memref<25x80xi32, #tpu.memory_space<vmem>> -> memref<1x80xi32, #tpu.memory_space<vmem>>
      %dma_start3A_172 = tpu.memref_squeeze %dma_start3A_171 : memref<1x80xi32, #tpu.memory_space<vmem>> -> memref<80xi32, #tpu.memory_space<vmem>>
      %dma_start3A_173 = arith.constant 0 : i32
      %dma_start3A_174 = arith.constant 0 : i32
      %dma_start3A_175 = tpu.memref_slice %arg13[%dma_start3A_173, %dma_start3A_174] : memref<10000x128xf32, #tpu.memory_space<vmem_shared>> -> memref<10000x128xf32, #tpu.memory_space<vmem_shared>>
      tpu.enqueue_indirect_dma source(%arg12 : memref<80x128xf32, #tpu.memory_space<vmem>>) target(%dma_start3A_175 : memref<10000x128xf32, #tpu.memory_space<vmem_shared>>) offsets(%dma_start3A_172 : memref<80xi32, #tpu.memory_space<vmem>>) semaphore(%arg17 : memref<!tpu.dma_semaphore, #tpu.memory_space<semaphore_mem>>) {add = true}
      %dma_start3A_176 = arith.constant 24 : i32
      %dma_start3A_177 = arith.constant 0 : i32
      %dma_start3A_178 = tpu.memref_slice %arg7[%dma_start3A_176, %dma_start3A_177] : memref<25x80xi32, #tpu.memory_space<vmem>> -> memref<1x80xi32, #tpu.memory_space<vmem>>
      %dma_start3A_179 = tpu.memref_squeeze %dma_start3A_178 : memref<1x80xi32, #tpu.memory_space<vmem>> -> memref<80xi32, #tpu.memory_space<vmem>>
      %dma_start3A_180 = arith.constant 0 : i32
      %dma_start3A_181 = arith.constant 0 : i32
      %dma_start3A_182 = tpu.memref_slice %arg2[%dma_start3A_180, %dma_start3A_181] : memref<10000x128xf32, #tpu.memory_space<hbm>> -> memref<10000x128xf32, #tpu.memory_space<hbm>>
      tpu.enqueue_indirect_dma source(%dma_start3A_182 : memref<10000x128xf32, #tpu.memory_space<hbm>>) target(%arg9 : memref<80x128xf32, #tpu.memory_space<vmem>>) offsets(%dma_start3A_179 : memref<80xi32, #tpu.memory_space<vmem>>) semaphore(%arg14 : memref<!tpu.dma_semaphore, #tpu.memory_space<semaphore_mem>>)
      %dma_wait3A_183 = arith.constant 22 : i32
      %dma_wait3A_184 = arith.constant 0 : i32
      %dma_wait3A_185 = tpu.memref_slice %arg8[%dma_wait3A_183, %dma_wait3A_184] : memref<25x80xi32, #tpu.memory_space<vmem>> -> memref<1x80xi32, #tpu.memory_space<vmem>>
      %dma_wait3A_186 = tpu.memref_squeeze %dma_wait3A_185 : memref<1x80xi32, #tpu.memory_space<vmem>> -> memref<80xi32, #tpu.memory_space<vmem>>
      %dma_wait3A_187 = arith.constant 0 : i32
      %dma_wait3A_188 = arith.constant 0 : i32
      %dma_wait3A_189 = tpu.memref_slice %arg13[%dma_wait3A_187, %dma_wait3A_188] : memref<10000x128xf32, #tpu.memory_space<vmem_shared>> -> memref<10000x128xf32, #tpu.memory_space<vmem_shared>>
      tpu.wait_indirect_dma semaphore(%arg16 : memref<!tpu.dma_semaphore, #tpu.memory_space<semaphore_mem>>) src(%arg11 : memref<80x128xf32, #tpu.memory_space<vmem>>) dst(%dma_wait3A_189 : memref<10000x128xf32, #tpu.memory_space<vmem_shared>>)
      %dma_wait3A_190 = arith.constant 23 : i32
      %dma_wait3A_191 = arith.constant 0 : i32
      %dma_wait3A_192 = tpu.memref_slice %arg8[%dma_wait3A_190, %dma_wait3A_191] : memref<25x80xi32, #tpu.memory_space<vmem>> -> memref<1x80xi32, #tpu.memory_space<vmem>>
      %dma_wait3A_193 = tpu.memref_squeeze %dma_wait3A_192 : memref<1x80xi32, #tpu.memory_space<vmem>> -> memref<80xi32, #tpu.memory_space<vmem>>
      %dma_wait3A_194 = arith.constant 0 : i32
      %dma_wait3A_195 = arith.constant 0 : i32
      %dma_wait3A_196 = tpu.memref_slice %arg13[%dma_wait3A_194, %dma_wait3A_195] : memref<10000x128xf32, #tpu.memory_space<vmem_shared>> -> memref<10000x128xf32, #tpu.memory_space<vmem_shared>>
      tpu.wait_indirect_dma semaphore(%arg17 : memref<!tpu.dma_semaphore, #tpu.memory_space<semaphore_mem>>) src(%arg12 : memref<80x128xf32, #tpu.memory_space<vmem>>) dst(%dma_wait3A_196 : memref<10000x128xf32, #tpu.memory_space<vmem_shared>>)
      %dma_wait3A_197 = arith.constant 24 : i32
      %dma_wait3A_198 = arith.constant 0 : i32
      %dma_wait3A_199 = tpu.memref_slice %arg7[%dma_wait3A_197, %dma_wait3A_198] : memref<25x80xi32, #tpu.memory_space<vmem>> -> memref<1x80xi32, #tpu.memory_space<vmem>>
      %dma_wait3A_200 = tpu.memref_squeeze %dma_wait3A_199 : memref<1x80xi32, #tpu.memory_space<vmem>> -> memref<80xi32, #tpu.memory_space<vmem>>
      %dma_wait3A_201 = arith.constant 0 : i32
      %dma_wait3A_202 = arith.constant 0 : i32
      %dma_wait3A_203 = tpu.memref_slice %arg2[%dma_wait3A_201, %dma_wait3A_202] : memref<10000x128xf32, #tpu.memory_space<hbm>> -> memref<10000x128xf32, #tpu.memory_space<hbm>>
      tpu.wait_indirect_dma semaphore(%arg14 : memref<!tpu.dma_semaphore, #tpu.memory_space<semaphore_mem>>) src(%dma_wait3A_203 : memref<10000x128xf32, #tpu.memory_space<hbm>>) dst(%arg9 : memref<80x128xf32, #tpu.memory_space<vmem>>)
      %run_scoped3A = arith.constant 24 : i32
      "tpu.region"() ({
        %run_scoped3A_205 = tpu.sem_alloc : memref<!tpu.dma_semaphore, #tpu.memory_space<semaphore_mem>>
        %dma_start3A_206 = arith.constant 0 : i32
        %dma_start3A_207 = tpu.memref_slice %arg8[%run_scoped3A, %dma_start3A_206] : memref<25x80xi32, #tpu.memory_space<vmem>> -> memref<1x80xi32, #tpu.memory_space<vmem>>
        %dma_start3A_208 = tpu.memref_squeeze %dma_start3A_207 : memref<1x80xi32, #tpu.memory_space<vmem>> -> memref<80xi32, #tpu.memory_space<vmem>>
        %dma_start3A_209 = arith.constant 0 : i32
        %dma_start3A_210 = arith.constant 0 : i32
        %dma_start3A_211 = tpu.memref_slice %arg13[%dma_start3A_209, %dma_start3A_210] : memref<10000x128xf32, #tpu.memory_space<vmem_shared>> -> memref<10000x128xf32, #tpu.memory_space<vmem_shared>>
        tpu.enqueue_indirect_dma source(%arg9 : memref<80x128xf32, #tpu.memory_space<vmem>>) target(%dma_start3A_211 : memref<10000x128xf32, #tpu.memory_space<vmem_shared>>) offsets(%dma_start3A_208 : memref<80xi32, #tpu.memory_space<vmem>>) semaphore(%run_scoped3A_205 : memref<!tpu.dma_semaphore, #tpu.memory_space<semaphore_mem>>) {add = true}
        %dma_wait3A_212 = arith.constant 0 : i32
        %dma_wait3A_213 = tpu.memref_slice %arg8[%run_scoped3A, %dma_wait3A_212] : memref<25x80xi32, #tpu.memory_space<vmem>> -> memref<1x80xi32, #tpu.memory_space<vmem>>
        %dma_wait3A_214 = tpu.memref_squeeze %dma_wait3A_213 : memref<1x80xi32, #tpu.memory_space<vmem>> -> memref<80xi32, #tpu.memory_space<vmem>>
        %dma_wait3A_215 = arith.constant 0 : i32
        %dma_wait3A_216 = arith.constant 0 : i32
        %dma_wait3A_217 = tpu.memref_slice %arg13[%dma_wait3A_215, %dma_wait3A_216] : memref<10000x128xf32, #tpu.memory_space<vmem_shared>> -> memref<10000x128xf32, #tpu.memory_space<vmem_shared>>
        tpu.wait_indirect_dma semaphore(%run_scoped3A_205 : memref<!tpu.dma_semaphore, #tpu.memory_space<semaphore_mem>>) src(%arg9 : memref<80x128xf32, #tpu.memory_space<vmem>>) dst(%dma_wait3A_217 : memref<10000x128xf32, #tpu.memory_space<vmem_shared>>)
        tpu.yield
      }) : () -> ()
      %scan3A_204 = arith.constant 0 : i32
      scf.yield %scan3A_204 : i32
    }
    %scan3A_21 = arith.constant 5 : i32
    %barrier3A_22 = arith.constant 0 : index
    tpu.barrier barrier_id(%barrier3A_22)
    %while3A_23 = arith.constant 0 : i32
    %while3A_24 = arith.constant 0 : i32
    %while3A_25 = arith.subi %select_n3A, %while3A_23 : i32
    %while3A_26 = arith.addi %while3A_23, %while3A_25 : i32
    %while3A_27 = arith.constant 1 : i32
    %while3A_28 = arith.divsi %while3A_25, %while3A_27 : i32
    %while3A_29 = arith.muli %while3A_28, %while3A_27 : i32
    %while3A_30 = arith.addi %while3A_23, %while3A_29 : i32
    %while3A_31 = arith.constant 1 : i32
    %while3A_32 = scf.for %while3A_35 = %while3A_23 to %while3A_30 step %while3A_31 iter_args(%while3A_36 = %while3A_24) -> (i32)  : i32 {
      %mul3A_37 = arith.constant 80 : i32
      %mul3A_38 = arith.muli %while3A_35, %mul3A_37 : i32
      %add3A_39 = arith.addi %multiple_of3A, %mul3A_38 : i32
      %multiple_of3A_40 = tpu.assume_multiple %add3A_39, 8 : i32
      "tpu.region"() ({
        %run_scoped3A = tpu.sem_alloc : memref<!tpu.dma_semaphore, #tpu.memory_space<semaphore_mem>>
        %dma_start3A = arith.constant 0 : i32
        %dma_start3A_42 = tpu.memref_slice %arg13[%multiple_of3A_40, %dma_start3A] : memref<10000x128xf32, #tpu.memory_space<vmem_shared>> -> memref<80x128xf32, #tpu.memory_space<vmem_shared>>
        %dma_start3A_43 = arith.constant 0 : i32
        %dma_start3A_44 = tpu.memref_slice %arg13[%multiple_of3A_40, %dma_start3A_43] : memref<10000x128xf32, #tpu.memory_space<vmem_shared>> -> memref<80x128xf32, #tpu.memory_space<vmem_shared>>
        tpu.enqueue_dma source(%dma_start3A_44 : memref<80x128xf32, #tpu.memory_space<vmem_shared>>) target(%arg9 : memref<80x128xf32, #tpu.memory_space<vmem>>) target_semaphore(%run_scoped3A : memref<!tpu.dma_semaphore, #tpu.memory_space<semaphore_mem>>)
        %dma_wait3A = arith.constant 0 : i32
        %dma_wait3A_45 = tpu.memref_slice %arg13[%multiple_of3A_40, %dma_wait3A] : memref<10000x128xf32, #tpu.memory_space<vmem_shared>> -> memref<80x128xf32, #tpu.memory_space<vmem_shared>>
        %dma_wait3A_46 = arith.constant 0 : i32
        %dma_wait3A_47 = tpu.memref_slice %arg13[%multiple_of3A_40, %dma_wait3A_46] : memref<10000x128xf32, #tpu.memory_space<vmem_shared>> -> memref<80x128xf32, #tpu.memory_space<vmem_shared>>
        tpu.wait_dma2 semaphore(%run_scoped3A : memref<!tpu.dma_semaphore, #tpu.memory_space<semaphore_mem>>) src(%dma_wait3A_47 : memref<80x128xf32, #tpu.memory_space<vmem_shared>>) dst(%arg9 : memref<80x128xf32, #tpu.memory_space<vmem>>)
        tpu.yield
      }) : () -> ()
      "tpu.region"() ({
        %run_scoped3A = tpu.sem_alloc : memref<!tpu.dma_semaphore, #tpu.memory_space<semaphore_mem>>
        %dma_start3A = arith.constant 0 : i32
        %dma_start3A_42 = arith.constant 0 : i32
        %dma_start3A_43 = tpu.memref_slice %arg6[%arg0, %dma_start3A, %dma_start3A_42] : memref<2x10000x128xf32, #tpu.memory_space<hbm>> -> memref<1x10000x128xf32, #tpu.memory_space<hbm>>
        %dma_start3A_44 = tpu.memref_squeeze %dma_start3A_43 : memref<1x10000x128xf32, #tpu.memory_space<hbm>> -> memref<10000x128xf32, #tpu.memory_space<hbm>>
        %dma_start3A_45 = arith.constant 0 : i32
        %dma_start3A_46 = tpu.memref_slice %dma_start3A_44[%multiple_of3A_40, %dma_start3A_45] : memref<10000x128xf32, #tpu.memory_space<hbm>> -> memref<80x128xf32, #tpu.memory_space<hbm>>
        %dma_start3A_47 = arith.constant 0 : i32
        %dma_start3A_48 = arith.constant 0 : i32
        %dma_start3A_49 = tpu.memref_slice %arg6[%arg0, %dma_start3A_47, %dma_start3A_48] : memref<2x10000x128xf32, #tpu.memory_space<hbm>> -> memref<1x10000x128xf32, #tpu.memory_space<hbm>>
        %dma_start3A_50 = tpu.memref_squeeze %dma_start3A_49 : memref<1x10000x128xf32, #tpu.memory_space<hbm>> -> memref<10000x128xf32, #tpu.memory_space<hbm>>
        %dma_start3A_51 = arith.constant 0 : i32
        %dma_start3A_52 = tpu.memref_slice %dma_start3A_50[%multiple_of3A_40, %dma_start3A_51] : memref<10000x128xf32, #tpu.memory_space<hbm>> -> memref<80x128xf32, #tpu.memory_space<hbm>>
        tpu.enqueue_dma source(%arg9 : memref<80x128xf32, #tpu.memory_space<vmem>>) target(%dma_start3A_52 : memref<80x128xf32, #tpu.memory_space<hbm>>) target_semaphore(%run_scoped3A : memref<!tpu.dma_semaphore, #tpu.memory_space<semaphore_mem>>)
        %dma_wait3A = arith.constant 0 : i32
        %dma_wait3A_53 = arith.constant 0 : i32
        %dma_wait3A_54 = tpu.memref_slice %arg6[%arg0, %dma_wait3A, %dma_wait3A_53] : memref<2x10000x128xf32, #tpu.memory_space<hbm>> -> memref<1x10000x128xf32, #tpu.memory_space<hbm>>
        %dma_wait3A_55 = tpu.memref_squeeze %dma_wait3A_54 : memref<1x10000x128xf32, #tpu.memory_space<hbm>> -> memref<10000x128xf32, #tpu.memory_space<hbm>>
        %dma_wait3A_56 = arith.constant 0 : i32
        %dma_wait3A_57 = tpu.memref_slice %dma_wait3A_55[%multiple_of3A_40, %dma_wait3A_56] : memref<10000x128xf32, #tpu.memory_space<hbm>> -> memref<80x128xf32, #tpu.memory_space<hbm>>
        %dma_wait3A_58 = arith.constant 0 : i32
        %dma_wait3A_59 = arith.constant 0 : i32
        %dma_wait3A_60 = tpu.memref_slice %arg6[%arg0, %dma_wait3A_58, %dma_wait3A_59] : memref<2x10000x128xf32, #tpu.memory_space<hbm>> -> memref<1x10000x128xf32, #tpu.memory_space<hbm>>
        %dma_wait3A_61 = tpu.memref_squeeze %dma_wait3A_60 : memref<1x10000x128xf32, #tpu.memory_space<hbm>> -> memref<10000x128xf32, #tpu.memory_space<hbm>>
        %dma_wait3A_62 = arith.constant 0 : i32
        %dma_wait3A_63 = tpu.memref_slice %dma_wait3A_61[%multiple_of3A_40, %dma_wait3A_62] : memref<10000x128xf32, #tpu.memory_space<hbm>> -> memref<80x128xf32, #tpu.memory_space<hbm>>
        tpu.wait_dma2 semaphore(%run_scoped3A : memref<!tpu.dma_semaphore, #tpu.memory_space<semaphore_mem>>) src(%arg9 : memref<80x128xf32, #tpu.memory_space<vmem>>) dst(%dma_wait3A_63 : memref<80x128xf32, #tpu.memory_space<hbm>>)
        tpu.yield
      }) : () -> ()
      %while3A_41 = arith.constant 0 : i32
      scf.yield %while3A_41 : i32
    }
    %while3A_33 = arith.constant 1 : i32
    %while3A_34 = scf.for %while3A_35 = %while3A_30 to %while3A_26 step %while3A_33 iter_args(%while3A_36 = %while3A_32) -> (i32)  : i32 {
      %mul3A_37 = arith.constant 80 : i32
      %mul3A_38 = arith.muli %while3A_35, %mul3A_37 : i32
      %add3A_39 = arith.addi %multiple_of3A, %mul3A_38 : i32
      %multiple_of3A_40 = tpu.assume_multiple %add3A_39, 8 : i32
      "tpu.region"() ({
        %run_scoped3A = tpu.sem_alloc : memref<!tpu.dma_semaphore, #tpu.memory_space<semaphore_mem>>
        %dma_start3A = arith.constant 0 : i32
        %dma_start3A_42 = tpu.memref_slice %arg13[%multiple_of3A_40, %dma_start3A] : memref<10000x128xf32, #tpu.memory_space<vmem_shared>> -> memref<80x128xf32, #tpu.memory_space<vmem_shared>>
        %dma_start3A_43 = arith.constant 0 : i32
        %dma_start3A_44 = tpu.memref_slice %arg13[%multiple_of3A_40, %dma_start3A_43] : memref<10000x128xf32, #tpu.memory_space<vmem_shared>> -> memref<80x128xf32, #tpu.memory_space<vmem_shared>>
        tpu.enqueue_dma source(%dma_start3A_44 : memref<80x128xf32, #tpu.memory_space<vmem_shared>>) target(%arg9 : memref<80x128xf32, #tpu.memory_space<vmem>>) target_semaphore(%run_scoped3A : memref<!tpu.dma_semaphore, #tpu.memory_space<semaphore_mem>>)
        %dma_wait3A = arith.constant 0 : i32
        %dma_wait3A_45 = tpu.memref_slice %arg13[%multiple_of3A_40, %dma_wait3A] : memref<10000x128xf32, #tpu.memory_space<vmem_shared>> -> memref<80x128xf32, #tpu.memory_space<vmem_shared>>
        %dma_wait3A_46 = arith.constant 0 : i32
        %dma_wait3A_47 = tpu.memref_slice %arg13[%multiple_of3A_40, %dma_wait3A_46] : memref<10000x128xf32, #tpu.memory_space<vmem_shared>> -> memref<80x128xf32, #tpu.memory_space<vmem_shared>>
        tpu.wait_dma2 semaphore(%run_scoped3A : memref<!tpu.dma_semaphore, #tpu.memory_space<semaphore_mem>>) src(%dma_wait3A_47 : memref<80x128xf32, #tpu.memory_space<vmem_shared>>) dst(%arg9 : memref<80x128xf32, #tpu.memory_space<vmem>>)
        tpu.yield
      }) : () -> ()
      "tpu.region"() ({
        %run_scoped3A = tpu.sem_alloc : memref<!tpu.dma_semaphore, #tpu.memory_space<semaphore_mem>>
        %dma_start3A = arith.constant 0 : i32
        %dma_start3A_42 = arith.constant 0 : i32
        %dma_start3A_43 = tpu.memref_slice %arg6[%arg0, %dma_start3A, %dma_start3A_42] : memref<2x10000x128xf32, #tpu.memory_space<hbm>> -> memref<1x10000x128xf32, #tpu.memory_space<hbm>>
        %dma_start3A_44 = tpu.memref_squeeze %dma_start3A_43 : memref<1x10000x128xf32, #tpu.memory_space<hbm>> -> memref<10000x128xf32, #tpu.memory_space<hbm>>
        %dma_start3A_45 = arith.constant 0 : i32
        %dma_start3A_46 = tpu.memref_slice %dma_start3A_44[%multiple_of3A_40, %dma_start3A_45] : memref<10000x128xf32, #tpu.memory_space<hbm>> -> memref<80x128xf32, #tpu.memory_space<hbm>>
        %dma_start3A_47 = arith.constant 0 : i32
        %dma_start3A_48 = arith.constant 0 : i32
        %dma_start3A_49 = tpu.memref_slice %arg6[%arg0, %dma_start3A_47, %dma_start3A_48] : memref<2x10000x128xf32, #tpu.memory_space<hbm>> -> memref<1x10000x128xf32, #tpu.memory_space<hbm>>
        %dma_start3A_50 = tpu.memref_squeeze %dma_start3A_49 : memref<1x10000x128xf32, #tpu.memory_space<hbm>> -> memref<10000x128xf32, #tpu.memory_space<hbm>>
        %dma_start3A_51 = arith.constant 0 : i32
        %dma_start3A_52 = tpu.memref_slice %dma_start3A_50[%multiple_of3A_40, %dma_start3A_51] : memref<10000x128xf32, #tpu.memory_space<hbm>> -> memref<80x128xf32, #tpu.memory_space<hbm>>
        tpu.enqueue_dma source(%arg9 : memref<80x128xf32, #tpu.memory_space<vmem>>) target(%dma_start3A_52 : memref<80x128xf32, #tpu.memory_space<hbm>>) target_semaphore(%run_scoped3A : memref<!tpu.dma_semaphore, #tpu.memory_space<semaphore_mem>>)
        %dma_wait3A = arith.constant 0 : i32
        %dma_wait3A_53 = arith.constant 0 : i32
        %dma_wait3A_54 = tpu.memref_slice %arg6[%arg0, %dma_wait3A, %dma_wait3A_53] : memref<2x10000x128xf32, #tpu.memory_space<hbm>> -> memref<1x10000x128xf32, #tpu.memory_space<hbm>>
        %dma_wait3A_55 = tpu.memref_squeeze %dma_wait3A_54 : memref<1x10000x128xf32, #tpu.memory_space<hbm>> -> memref<10000x128xf32, #tpu.memory_space<hbm>>
        %dma_wait3A_56 = arith.constant 0 : i32
        %dma_wait3A_57 = tpu.memref_slice %dma_wait3A_55[%multiple_of3A_40, %dma_wait3A_56] : memref<10000x128xf32, #tpu.memory_space<hbm>> -> memref<80x128xf32, #tpu.memory_space<hbm>>
        %dma_wait3A_58 = arith.constant 0 : i32
        %dma_wait3A_59 = arith.constant 0 : i32
        %dma_wait3A_60 = tpu.memref_slice %arg6[%arg0, %dma_wait3A_58, %dma_wait3A_59] : memref<2x10000x128xf32, #tpu.memory_space<hbm>> -> memref<1x10000x128xf32, #tpu.memory_space<hbm>>
        %dma_wait3A_61 = tpu.memref_squeeze %dma_wait3A_60 : memref<1x10000x128xf32, #tpu.memory_space<hbm>> -> memref<10000x128xf32, #tpu.memory_space<hbm>>
        %dma_wait3A_62 = arith.constant 0 : i32
        %dma_wait3A_63 = tpu.memref_slice %dma_wait3A_61[%multiple_of3A_40, %dma_wait3A_62] : memref<10000x128xf32, #tpu.memory_space<hbm>> -> memref<80x128xf32, #tpu.memory_space<hbm>>
        tpu.wait_dma2 semaphore(%run_scoped3A : memref<!tpu.dma_semaphore, #tpu.memory_space<semaphore_mem>>) src(%arg9 : memref<80x128xf32, #tpu.memory_space<vmem>>) dst(%dma_wait3A_63 : memref<80x128xf32, #tpu.memory_space<hbm>>)
        tpu.yield
      }) : () -> ()
      %while3A_41 = arith.constant 0 : i32
      scf.yield %while3A_41 : i32
    }
    return
  }
}

module attributes {stable_mosaic.version = 14 : i64} {
  func.func @_mm_body(%arg0: i32, %arg1: memref<1000x128xf32, #tpu.memory_space<vmem>>, %arg2: memref<128x128xf32, #tpu.memory_space<vmem>>, %arg3: memref<2x1000x1xf32, #tpu.memory_space<vmem>>, %arg4: memref<1000x128xf32, #tpu.memory_space<vmem>>) attributes {dimension_semantics = [#tpu.dimension_semantics<arbitrary>], iteration_bounds = array<i64: 10>, scalar_prefetch = 0 : i64, scratch_operands = 0 : i64, tpu.core_type = #tpu.core_type<tc>, window_params = [{transform_indices = @transform_0, window_bounds = array<i64: 1000, 128>}, {pipeline_mode = #tpu.pipeline_mode<synchronous>, transform_indices = @transform_1, window_bounds = array<i64: 128, 128>}, {transform_indices = @transform_2, window_bounds = array<i64: 2, 1000, 1>}, {transform_indices = @transform_3, window_bounds = array<i64: 1000, 128>}]} {
    %get3A = arith.constant 0 : index
    %get3A_0 = arith.constant 0 : index
    %get3A_1 = vector.load %arg1[%get3A, %get3A_0] : memref<1000x128xf32, #tpu.memory_space<vmem>>, vector<1000x128xf32>
    %get3A_2 = arith.constant 0 : index
    %get3A_3 = arith.constant 0 : index
    %get3A_4 = vector.load %arg2[%get3A_2, %get3A_3] : memref<128x128xf32, #tpu.memory_space<vmem>>, vector<128x128xf32>
    %dot_general3A = arith.constant dense<0.000000e+00> : vector<1000x128xf32>
    %dot_general3A_5 = tpu.matmul %get3A_1, %get3A_4, %dot_general3A {dimension_numbers = #tpu.dot_dimension_numbers<[1], [0], [0], [1], [0, 0, 1, 1], [], []>, transpose_lhs_hint = false} : vector<1000x128xf32>, vector<128x128xf32>, vector<1000x128xf32> -> vector<1000x128xf32>
    %get3A_6 = arith.constant 0 : index
    %get3A_7 = arith.constant 0 : index
    %get3A_8 = arith.constant 0 : index
    %get3A_9 = vector.load %arg3[%get3A_6, %get3A_7, %get3A_8] : memref<2x1000x1xf32, #tpu.memory_space<vmem>>, vector<1x1000x1xf32>
    %get3A_10 = vector.shape_cast %get3A_9 : vector<1x1000x1xf32> to vector<1000x1xf32>
    %get3A_11 = arith.constant 1 : index
    %get3A_12 = arith.constant 0 : index
    %get3A_13 = arith.constant 0 : index
    %get3A_14 = vector.load %arg3[%get3A_11, %get3A_12, %get3A_13] : memref<2x1000x1xf32, #tpu.memory_space<vmem>>, vector<1x1000x1xf32>
    %get3A_15 = vector.shape_cast %get3A_14 : vector<1x1000x1xf32> to vector<1000x1xf32>
    %add3A = arith.addf %get3A_10, %get3A_15 : vector<1000x1xf32>
    %rsqrt3A = math.rsqrt %add3A : vector<1000x1xf32>
    %mul3A = vector.broadcast %rsqrt3A : vector<1000x1xf32> to vector<1000x128xf32>
    %mul3A_16 = arith.mulf %dot_general3A_5, %mul3A : vector<1000x128xf32>
    %swap3A = arith.constant 0 : index
    %swap3A_17 = arith.constant 0 : index
    %swap3A_18 = vector.load %arg4[%swap3A, %swap3A_17] : memref<1000x128xf32, #tpu.memory_space<vmem>>, vector<1000x128xf32>
    tpu.vector_store %arg4[%swap3A, %swap3A_17], %mul3A_16 {strides = array<i32>} : memref<1000x128xf32, #tpu.memory_space<vmem>>, vector<1000x128xf32>,
    return
  }
  func.func @transform_0(%arg0: i32) -> (i32, i32) {
    %c0_i32 = arith.constant 0 : i32
    %c0_i32_0 = arith.constant 0 : i32
    return %arg0, %c0_i32 : i32, i32
  }
  func.func @transform_1(%arg0: i32) -> (i32, i32) {
    %c0_i32 = arith.constant 0 : i32
    %c0_i32_0 = arith.constant 0 : i32
    %c0_i32_1 = arith.constant 0 : i32
    return %c0_i32, %c0_i32_0 : i32, i32
  }
  func.func @transform_2(%arg0: i32) -> (i32, i32, i32) {
    %c0_i32 = arith.constant 0 : i32
    %c0_i32_0 = arith.constant 0 : i32
    %c0_i32_1 = arith.constant 0 : i32
    return %c0_i32, %arg0, %c0_i32_0 : i32, i32, i32
  }
  func.func @transform_3(%arg0: i32) -> (i32, i32) {
    %c0_i32 = arith.constant 0 : i32
    %c0_i32_0 = arith.constant 0 : i32
    return %arg0, %c0_i32 : i32, i32
  }
}

module attributes {stable_mosaic.version = 14 : i64} {
  func.func @_out_body(%arg0: i32, %arg1: memref<2x1000x128xf32, #tpu.memory_space<vmem>>, %arg2: memref<1000x128xf32, #tpu.memory_space<vmem>>, %arg3: memref<2x1000x1xf32, #tpu.memory_space<vmem>>, %arg4: memref<1x128xf32, #tpu.memory_space<vmem>>, %arg5: memref<1000x128xf32, #tpu.memory_space<vmem>>) attributes {dimension_semantics = [#tpu.dimension_semantics<arbitrary>], iteration_bounds = array<i64: 10>, scalar_prefetch = 0 : i64, scratch_operands = 0 : i64, tpu.core_type = #tpu.core_type<tc>, window_params = [{transform_indices = @transform_0, window_bounds = array<i64: 2, 1000, 128>}, {transform_indices = @transform_1, window_bounds = array<i64: 1000, 128>}, {transform_indices = @transform_2, window_bounds = array<i64: 2, 1000, 1>}, {pipeline_mode = #tpu.pipeline_mode<synchronous>, transform_indices = @transform_3, window_bounds = array<i64: 1, 128>}, {transform_indices = @transform_4, window_bounds = array<i64: 1000, 128>}]} {
    %get3A = arith.constant 0 : index
    %get3A_0 = arith.constant 0 : index
    %get3A_1 = arith.constant 0 : index
    %get3A_2 = vector.load %arg3[%get3A, %get3A_0, %get3A_1] : memref<2x1000x1xf32, #tpu.memory_space<vmem>>, vector<1x1000x1xf32>
    %get3A_3 = vector.shape_cast %get3A_2 : vector<1x1000x1xf32> to vector<1000x1xf32>
    %get3A_4 = arith.constant 1 : index
    %get3A_5 = arith.constant 0 : index
    %get3A_6 = arith.constant 0 : index
    %get3A_7 = vector.load %arg3[%get3A_4, %get3A_5, %get3A_6] : memref<2x1000x1xf32, #tpu.memory_space<vmem>>, vector<1x1000x1xf32>
    %get3A_8 = vector.shape_cast %get3A_7 : vector<1x1000x1xf32> to vector<1000x1xf32>
    %add3A = arith.addf %get3A_3, %get3A_8 : vector<1000x1xf32>
    %rsqrt3A = math.rsqrt %add3A : vector<1000x1xf32>
    %get3A_9 = arith.constant 0 : index
    %get3A_10 = arith.constant 0 : index
    %get3A_11 = arith.constant 0 : index
    %get3A_12 = vector.load %arg1[%get3A_9, %get3A_10, %get3A_11] : memref<2x1000x128xf32, #tpu.memory_space<vmem>>, vector<1x1000x128xf32>
    %get3A_13 = vector.shape_cast %get3A_12 : vector<1x1000x128xf32> to vector<1000x128xf32>
    %get3A_14 = arith.constant 1 : index
    %get3A_15 = arith.constant 0 : index
    %get3A_16 = arith.constant 0 : index
    %get3A_17 = vector.load %arg1[%get3A_14, %get3A_15, %get3A_16] : memref<2x1000x128xf32, #tpu.memory_space<vmem>>, vector<1x1000x128xf32>
    %get3A_18 = vector.shape_cast %get3A_17 : vector<1x1000x128xf32> to vector<1000x128xf32>
    %add3A_19 = arith.addf %get3A_13, %get3A_18 : vector<1000x128xf32>
    %get3A_20 = arith.constant 0 : index
    %get3A_21 = arith.constant 0 : index
    %get3A_22 = vector.load %arg2[%get3A_20, %get3A_21] : memref<1000x128xf32, #tpu.memory_space<vmem>>, vector<1000x128xf32>
    %add3A_23 = arith.addf %add3A_19, %get3A_22 : vector<1000x128xf32>
    %mul3A = vector.broadcast %rsqrt3A : vector<1000x1xf32> to vector<1000x128xf32>
    %mul3A_24 = arith.mulf %add3A_23, %mul3A : vector<1000x128xf32>
    %get3A_25 = arith.constant 0 : index
    %get3A_26 = arith.constant 0 : index
    %get3A_27 = vector.load %arg4[%get3A_25, %get3A_26] : memref<1x128xf32, #tpu.memory_space<vmem>>, vector<1x128xf32>
    %add3A_28 = vector.broadcast %get3A_27 : vector<1x128xf32> to vector<1000x128xf32>
    %add3A_29 = arith.addf %mul3A_24, %add3A_28 : vector<1000x128xf32>
    %max3A = arith.constant 0.000000e+00 : f32
    %max3A_30 = vector.broadcast %max3A : f32 to vector<1000x128xf32>
    %max3A_31 = arith.maximumf %add3A_29, %max3A_30 : vector<1000x128xf32>
    %swap3A = arith.constant 0 : index
    %swap3A_32 = arith.constant 0 : index
    %swap3A_33 = vector.load %arg5[%swap3A, %swap3A_32] : memref<1000x128xf32, #tpu.memory_space<vmem>>, vector<1000x128xf32>
    tpu.vector_store %arg5[%swap3A, %swap3A_32], %max3A_31 {strides = array<i32>} : memref<1000x128xf32, #tpu.memory_space<vmem>>, vector<1000x128xf32>,
    return
  }
  func.func @transform_0(%arg0: i32) -> (i32, i32, i32) {
    %c0_i32 = arith.constant 0 : i32
    %c0_i32_0 = arith.constant 0 : i32
    %c0_i32_1 = arith.constant 0 : i32
    return %c0_i32, %arg0, %c0_i32_0 : i32, i32, i32
  }
  func.func @transform_1(%arg0: i32) -> (i32, i32) {
    %c0_i32 = arith.constant 0 : i32
    %c0_i32_0 = arith.constant 0 : i32
    return %arg0, %c0_i32 : i32, i32
  }
  func.func @transform_2(%arg0: i32) -> (i32, i32, i32) {
    %c0_i32 = arith.constant 0 : i32
    %c0_i32_0 = arith.constant 0 : i32
    %c0_i32_1 = arith.constant 0 : i32
    return %c0_i32, %arg0, %c0_i32_0 : i32, i32, i32
  }
  func.func @transform_3(%arg0: i32) -> (i32, i32) {
    %c0_i32 = arith.constant 0 : i32
    %c0_i32_0 = arith.constant 0 : i32
    %c0_i32_1 = arith.constant 0 : i32
    return %c0_i32, %c0_i32_0 : i32, i32
  }
  func.func @transform_4(%arg0: i32) -> (i32, i32) {
    %c0_i32 = arith.constant 0 : i32
    %c0_i32_0 = arith.constant 0 : i32
    return %arg0, %c0_i32 : i32, i32
  }
}

</mosaic_0001>

<sc_bundles>
// kernel: kernel.6.cloned.1.call-start
scs
__scs_entry_jumppad:
0x0: {  	(pc) =	sbr.rel $0x88, $3  }
0x1: {  	(tag) =	ssettag $0x0;
	lr =	simm.s32 $0x1  }
0x2: {  	[smem:$0x3F9D] =	sst lr;
	_ =	strace $0xD0000000  }
0x3: {  	_ = 	snop  }
0x4: {  	_ = 	snop  }
0x5: {  	_ = 	snop  }
0x6: {  	_ = 	snop  }
0x7: {  	_ = 	snop  }
__scs_overlays_trampoline_lowered:
0x8: {  	[smem:$0x3FAC] =	sst s0  }
0x9: {  	[smem:$0x3FAD] =	sst s1  }
0xa: {  	[smem:$0x3FAE] =	sst s2  }
0xb: {  	[smem:$0x3FAF] =	sst s3  }
0xc: {  	[smem:$0x3FB0] =	sst s4  }
0xd: {  	[smem:$0x3FB1] =	sst s5  }
0xe: {  	[smem:$0x3FB2] =	sst s6  }
0xf: {  	[smem:$0x3FB3] =	sst s7  }
0x10: {  	[smem:$0x3FB4] =	sst s8  }
0x11: {  	[smem:$0x3FB5] =	sst s9;
	s0 =	simm.s32 @!p0 $0x0  }
0x12: {  	s1 =	sld [smem:$0x3F9B];
	s0 =	simm.s32 @p0 $0x1  }
0x13: {  	[smem:$0x3FB6] =	sst s0;
	s0 =	simm.s32 @!p1 $0x0  }
0x14: {  	s2 =	sld [smem:$0x3F9A];
	s0 =	simm.s32 @p1 $0x1  }
0x15: {  	[smem:$0x3FB7] =	sst s0;
	s0 =	simm.s32 @!p2 $0x0  }
0x16: {  	s3 =	sld [smem:$0x3FDB];
	s0 =	simm.s32 @p2 $0x1  }
0x17: {  	s4 =	simm.s32 $0x1BF5;
	[smem:$0x3FB9] =	sst s0  }
0x18: {  	s0 =	sld [smem:$0x3F9C];
	_ =	swait.ge [sflag:s4], $0x0  }
0x19: {  	s7 =	sld [smem:$0x3F9D]  }
0x1a: {  	s8 =	sadd.s32 $0xFFFFE003, lr  }
0x1b: {  	s9 =	sadd.s32 $0xFFFFFEF7, lr;
	s5 =	simm.s32 $0xFFFFFFFF;
	p2 =	slt.u32 s8, $0xFFFFF086  }
0x1c: {  	p1 =	slt.u32 s9, $0xF7A;
	s5 =	simm.s32 @!p2 $0x0  }
0x1d: {  	s5 =	simm.s32 @p1 $0x1;
	p0 =	seq.s32 s7, s2  }
0x1e: {  	s7 =	smul.u32 @!p0 $0xF7A, s2;
	p2 =	seq.s32 @!p0 s5, $0x0  }
0x1f: {  	s9 =	smul.u32 $0xF7A, s1;
	s8 =	simm.s32 @!p0 $0x1BF5;
	p2 =	por !p2, p0  }
0x20: {  	[sflag:s8] =	ssyncset.s32 @!p0 $0xFFFFF086;
	s6 =	sadd.s32 @!p0 s3, s7;
	s7 =	simm.s32 @!p0 $0x108  }
0x21: {  	s3 =	sadd.s32 s3, s9;
	s6 =	sadd.s32 @!p0 $0x88, s6;
	s7 =	simm.s32 @p2 $0x1082  }
0x22: {  	[simem:s7], [sflag:s8] =	dma.local @!p0 [hbm:s6], $0xF7A  }
0x23: {  	s9 =	sor.u32 $0xD0000000, s2;
	s6 =	simm.s32 $0x108;
	_ =	swait.ge @!p0 [sflag:s8], $0x0  }
0x24: {  	s3 =	sadd.s32 $0x88, s3;
	s6 =	simm.s32 @!p1 $0x1082;
	[sflag:s4] =	ssyncset.s32 $0xFFFFF086  }
0x25: {  	[simem:s6], [sflag:s4] =	dma.local [hbm:s3], $0xF7A  }
0x26: {  	[smem:$0x3F9D] =	sst s1;
	(tag) =	ssettag s2;
	_ =	strace s9  }
0x27: {  	s1 =	sld [smem:$0x3FAD]  }
0x28: {  	s2 =	sld [smem:$0x3FAE]  }
0x29: {  	s4 =	sld [smem:$0x3FB0]  }
0x2a: {  	p0 =	seq.s32 s5, $0x0;
	s5 =	sld [smem:$0x3FB1]  }
0x2b: {  	s6 =	sld [smem:$0x3FB2]  }
0x2c: {  	s7 =	sld [smem:$0x3FB3]  }
0x2d: {  	s3 =	simm.s32 $0x108;
	s8 =	sld [smem:$0x3FB4]  }
0x2e: {  	s3 =	simm.s32 @!p0 $0x1082;
	s9 =	sld [smem:$0x3FB5]  }
0x2f: {  	lr =	sadd.s32 s0, s3;
	s0 =	sld [smem:$0x3FAC]  }
0x30: {  	s3 =	sld [smem:$0x3FAF]  }
0x31: {  	[smem:$0x3FB8] =	sst s10  }
0x32: {  	s10 =	sld [smem:$0x3FB6];
	_ =	sdelay $0x3  }
0x33: {  	p0 =	seq.s32 s10, $0x1;
	s10 =	sld [smem:$0x3FB8];
	_ =	sdelay $0x3  }
0x34: {  	[smem:$0x3FB8] =	sst s10  }
0x35: {  	s10 =	sld [smem:$0x3FB7];
	_ =	sdelay $0x3  }
0x36: {  	p1 =	seq.s32 s10, $0x1;
	s10 =	sld [smem:$0x3FB8];
	_ =	sdelay $0x3  }
0x37: {  	[smem:$0x3FB8] =	sst s10  }
0x38: {  	s10 =	sld [smem:$0x3FB9]  }
0x39: {  	_ = 	snop;
	(pc) =	sbr.ind lr, $3  }
0x3a: {  	_ = 	snop  }
0x3b: {  	_ = 	snop  }
0x3c: {  	p2 =	seq.s32 s10, $0x1;
	s10 =	sld [smem:$0x3FB8]  }
0x3d: {  	_ =	shalt  }
0x3e: {  	_ =	shalt  }
0x3f: {  	_ =	shalt  }
0x40: {  	_ =	shalt  }
0x41: {  	_ =	shalt  }
0x42: {  	_ =	shalt  }
0x43: {  	_ =	shalt  }
0x44: {  	_ =	shalt  }
0x45: {  	_ =	shalt  }
0x46: {  	_ =	shalt  }
0x47: {  	_ =	shalt  }
0x48: {  	_ =	shalt  }
0x49: {  	_ =	shalt  }
0x4a: {  	_ =	shalt  }
0x4b: {  	_ =	shalt  }
0x4c: {  	_ =	shalt  }
0x4d: {  	_ =	shalt  }
0x4e: {  	_ =	shalt  }
0x4f: {  	_ =	shalt  }
0x50: {  	_ =	shalt  }
0x51: {  	_ =	shalt  }
0x52: {  	_ =	shalt  }
0x53: {  	_ =	shalt  }
0x54: {  	_ =	shalt  }
0x55: {  	_ =	shalt  }
0x56: {  	_ =	shalt  }
0x57: {  	_ =	shalt  }
0x58: {  	_ =	shalt  }
0x59: {  	_ =	shalt  }
0x5a: {  	_ =	shalt  }
0x5b: {  	_ =	shalt  }
0x5c: {  	_ =	shalt  }
0x5d: {  	_ =	shalt  }
0x5e: {  	_ =	shalt  }
0x5f: {  	_ =	shalt  }
0x60: {  	_ =	shalt  }
0x61: {  	_ =	shalt  }
0x62: {  	_ =	shalt  }
0x63: {  	_ =	shalt  }
0x64: {  	_ =	shalt  }
0x65: {  	_ =	shalt  }
0x66: {  	_ =	shalt  }
0x67: {  	_ =	shalt  }
0x68: {  	_ =	shalt  }
0x69: {  	_ =	shalt  }
0x6a: {  	_ =	shalt  }
0x6b: {  	_ =	shalt  }
0x6c: {  	_ =	shalt  }
0x6d: {  	_ =	shalt  }
0x6e: {  	_ =	shalt  }
0x6f: {  	_ =	shalt  }
0x70: {  	_ =	shalt  }
0x71: {  	_ =	shalt  }
0x72: {  	_ =	shalt  }
0x73: {  	_ =	shalt  }
0x74: {  	_ =	shalt  }
0x75: {  	_ =	shalt  }
0x76: {  	_ =	shalt  }
0x77: {  	_ =	shalt  }
0x78: {  	_ =	shalt  }
0x79: {  	_ =	shalt  }
0x7a: {  	_ =	shalt  }
0x7b: {  	_ =	shalt  }
0x7c: {  	_ =	shalt  }
0x7d: {  	_ =	shalt  }
0x7e: {  	_ =	shalt  }
0x7f: {  	_ =	shalt  }
0x80: {  	_ =	shalt  }
0x81: {  	_ =	shalt  }
0x82: {  	_ =	shalt  }
0x83: {  	_ =	shalt  }
0x84: {  	_ =	shalt  }
0x85: {  	_ =	shalt  }
0x86: {  	_ =	shalt  }
0x87: {  	_ =	shalt  }
.Lfunc_end0:
.L_simem_size_0:
called_computation_lowered:
.L_overlay_start_0:
0x88: {  	s2 =	sld [smem:$0x3FD9]  }
0x89: {  	s3 =	sld [smem:$0x3FFE];
	_ =	sdelay $0x1  }
0x8a: {  	s1 =	srdreg.scid  }
0x8b: {  	s0 =	sand.u32 $0x1, s1  }
0x8c: {  	s17 =	sshll.u32 s0, $0xA;
	s2 =	sadd.s32 s3, s2  }
0x8d: {  	s2 =	sadd.s32 s2, s17  }
0x8e: {  	[smem:$0x3FC4] =	sst s2  }
0x8f: {  	_ = 	snop  }
0x90: {  	s2 =	sld [smem:$0x3FD0];
	(tm) =	ssettm $0x1  }
0x91: {  	s18 =	sld [smem:$0x3FFB];
	_ =	sdelay $0x3  }
0x92: {  	_ =	strace s18  }
0x93: {  	s3 =	sld [smem:$0x3FFC];
	_ =	sdelay $0x3  }
0x94: {  	_ =	strace s3  }
0x95: {  	s3 =	sld [smem:$0x3FFD];
	_ =	sdelay $0x3  }
0x96: {  	_ =	strace s3  }
0x97: {  	_ =	strace $0x8FFFFFFF  }
0x98: {  	s19 =	sld [smem:$0x3FDB];
	_ =	sdelay $0x1  }
0x99: {  	s4 =	simm.s32 $_scs_section_size  }
0x9a: {  	s5 =	simm.s32 $_size__tile_overlayer_lowered;
	s6 =	simm.s32 $_tile_overlayer_lowered  }
0x9b: {  	s22 =	simm.s32 $0x1BFF;
	s21 =	sshll.u32 s6, $0x1;
	s3 =	sadd.s32 s4, s19  }
0x9c: {  	s7 =	simm.s32 $0x0;
	s20 =	sshll.u32 s5, $0x1;
	s5 =	sadd.s32 s21, s3  }
0x9d: {  	[timem:s7], [sflag:s22] =	dma.local [hbm:s5], s20  }
0x9e: {  	_ =	swait.ge [sflag:s22], s20  }
0x9f: {  	s4 =	ssub.s32 $0x0, s20;
	[sflag:s22] =	ssyncset.done $0x0  }
0xa0: {  	[sflag:s22] =	ssyncadd.s32 s4;
	_ =	sdelay $0x1  }
0xa1: {  	s23 =	simm.s32 $0x1B8B  }
0xa2: {  	_ =	swait.ge [sflag:s23], $0x1  }
0xa3: {  	[sflag:s23] =	ssyncset.done $0x0  }
0xa4: {  	s25 =	simm.s32 $0x1B8E;
	s24 =	sld [smem:$0x3FFE];
	[sflag:s23] =	ssyncadd.s32 $0xFFFFFFFF  }
0xa5: {  	s26 =	simm.s32 $execute0_lowered;
	[smem:$0x3FD2] =	sst s25  }
0xa6: {  	s5 =	sshll.u32 s26, $0x1;
	_ =	strace $0x80000046;
	[dreg:$0x1] =	wrdreg $0xFFFFFFFF  }
0xa7: {  	s28 =	simm.s32 $_size_execute0_lowered;
	s3 =	sadd.s32 s3, s5;
	[dreg:$0x0] =	wrdreg $0x0  }
0xa8: {  	s5 =	sshll.u32 s28, $0x1;
	[dreg:$0x2] =	wrdreg s3  }
0xa9: {  	[dreg:$0x3] =	wrdreg s5  }
0xaa: {  	[dreg:$0x4] =	wrdreg $0xC0  }
0xab: {  	_ =	task [dreg:s7], $0x5FFFF  }
0xac: {  	[dreg:$0x1] =	wrdreg $0xFFFFFFFF  }
0xad: {  	[dreg:$0x0] =	wrdreg $0x60  }
0xae: {  	[dreg:$0x2] =	wrdreg s2  }
0xaf: {  	[dreg:$0x3] =	wrdreg s24  }
0xb0: {  	[dreg:$0x4] =	wrdreg $0x68000  }
0xb1: {  	[dreg:$0x5] =	wrdreg $0x9  }
0xb2: {  	_ =	task.clear_ibuf [dreg:s7], $0x6FFFF;
	_ =	strace $0x90000046  }
0xb3: {  	s29 =	simm.s32 $0x9;
	_ =	strace $0x80000048  }
0xb4: {  	_ =	swait.ge [sflag:s29], $0x1  }
0xb5: {  	[sflag:s29] =	ssyncadd.s32 $0xFFFFFFFF  }
0xb6: {  	_ =	strace $0x90000048  }
0xb7: {  	_ =	sfence  }
0xb8: {  	s30 =	sld [smem:$0x0];
	_ =	sdelay $0x2  }
0xb9: {  	s31 =	sshll.u32 s1, $0xD;
	s1 =	sshrl.u32 s1, $0x2  }
0xba: {  	s3 =	sand.u32 $0x4000, s31;
	s1 =	sadd.s32 s1, s30  }
0xbb: {  	s0 =	sor.u32 s3, s0;
	s1 =	sshll.u32 s1, $0x11  }
0xbc: {  	s0 =	sor.u32 s1, s0  }
0xbd: {  	s0 =	sadd.s32 $0x8F2B, s0  }
0xbe: {  	[sflag:s0] =	ssyncadd.remote.s32 $0x1  }
0xbf: {  	_ =	sfence.sel $0xFFFF  }
0xc0: {  	[dreg:$0x0] =	wrdreg $0xFFFFFFFF;
	(pc) =	sbr.abs _section_cstart, $3  }
0xc1: {  	[dreg:$0x1] =	wrdreg $0xFFFFFFFF  }
0xc2: {  	_ =	task.clear_ibuf [dreg:s7], $0x2FFFF;
	_ =	strace $0x9FFFFFFF  }
0xc3: {  	(tm) =	ssettm $0x7FFFFFFF  }
tec
execute0_lowered:
.L_overlay_start_1:
0x0: {  	(tag) =	ssettag $0x1  }
0x1: {  	s4 =	rddreg [dreg:$0x0]  }
0x2: {  	s5 =	rddreg [dreg:$0x1]  }
0x3: {  	s1 =	rddreg [dreg:$0x2]  }
0x4: {  	s3 =	srdreg.scid;
	s0 =	rddreg [dreg:$0x3];
	s2 =	simm.s32 $0x0  }
0x5: {  	s8 =	stileid.u32;
	s11 =	simm.s32 $0x1;
	s12 =	simm.s32 $0x2  }
0x6: {  	s13 =	simm.s32 $0x3;
	s14 =	simm.s32 $0x4;
	s15 =	simm.s32 $0x3E00  }
0x7: {  	s16 =	simm.s32 $0x0;
	s6 =	sand.u32 $0x1, s3;
	[smem:$0x7FF] =	sst s2  }
0x8: {  	s3 =	sadd.s32 $0x2600, s5;
	s10 =	sshll.u32 s8, $0xC;
	p0 =	sne.s32 s8, $0x0  }
0x9: {  	s8 =	simm.s32 $0x6780;
	s7 =	sshll.u32 s6, $0x4;
	s31 =	ssub.s32 $0x2, s6  }
0xa: {  	_ =	strace $0x80000047;
	s6 =	sshll.u32 s6, $0xB;
	s9 =	sshrl.u32 s31, $0x1  }
0xb: {  	s7 =	sadd.s32 s7, s5;
	s6 =	sadd.s32 s4, s6;
	s9 =	ssub.s32 s31, s9  }
0xc: {  	s4 =	sadd.s32 $0x1C00, s7;
	s5 =	sadd.s32 s10, s6;
	s6 =	sadd.s32 $0x2800, s7  }
0xd: {  	s10 =	simm.s32 $0x50;
	s7 =	smax.u32 s9, $0x1;
	s9 =	simm.s32 $0x5  }
.LBB2_1:
0xe: {  	s17 =	simm.s32 @!p0 $0x80;
	s18 =	simm.s32 @!p0 $0x100;
	s19 =	simm.s32 @!p0 $0x4000  }
0xf: {  	[tilespmem:s19], [sflag:$0x5] =	stream.strided.gather @!p0 [hbm4b:s4+s17], $0x2780, s18, s17, $0x38;
	[tilespmem:$0x6A78] =	vst v63  }
0x10: {  	s17 =	simm.s32 @!p0 $0x5  }
0x11: {  	_ =	swait.ge @!p0 [sflag:s17], $0x2780  }
0x12: {  	[sflag:s17] =	ssyncset.done @!p0 $0x0  }
0x13: {  	[sflag:s17] =	ssyncadd.s32 @!p0 $0xFFFFD880  }
0x14: {  	[spmem:s1] =	stream.linear.scatter @!p0 [tilespmem:s19], [sflag:$0x5], $0x2780, $0x38;
	[tilespmem:$0x6A78] =	vst v63  }
0x15: {  	_ =	swait.ge @!p0 [sflag:s17], $0x2780  }
0x16: {  	[sflag:s17] =	ssyncset.done @!p0 $0x0  }
0x17: {  	[sflag:s17] =	ssyncadd.s32 @!p0 $0xFFFFD880  }
0x18: {  	[tilespmem:s8], [sflag:$0x5] =	stream.linear.gather [hbm4b:s3+s2], $0x80, $0x38;
	[tilespmem:$0x6A78] =	vst v63  }
0x19: {  	_ =	swait.ge [sflag:s9], $0x80  }
0x1a: {  	[sflag:s9] =	ssyncset.done $0x0  }
0x1b: {  	[sflag:s9] =	ssyncadd.s32 $0xFFFFFF80  }
0x1c: {  	[tilespmem:s2], [sflag:$0x5] =	stream.linear.gather [hbm4b:s5+s2], $0x3E80, $0x38;
	[tilespmem:$0x6A78] =	vst v63  }
0x1d: {  	_ =	swait.ge [sflag:s9], $0x3E80  }
0x1e: {  	[sflag:s9] =	ssyncset.done $0x0  }
0x1f: {  	[sflag:s9] =	ssyncadd.s32 $0xFFFFC180  }
0x20: {  	s28 =	simm.s32 $0x0;
	[bflag:$0x0] =	sbarrier.arrive $0xFFFF  }
0x21: {  	[spmem:s1] =	stream.indirect.scatter.add.f32 [tilespmem:s8], [sflag:$0x1], $0x1, s28, s10, $0xb8;
	[tilespmem:$0x6A78] =	vst v63  }
0x22: {  	s29 =	simm.s32 $0x80  }
0x23: {  	[spmem:s1] =	stream.indirect.scatter.add.f32 [tilespmem:s8], [sflag:$0x2], $0x1, s29, s10, $0xb8;
	[tilespmem:$0x6A78] =	vst v63  }
0x24: {  	s30 =	simm.s32 $0x100  }
0x25: {  	[spmem:s1] =	stream.indirect.scatter.add.f32 [tilespmem:s8], [sflag:$0x3], $0x1, s30, s10, $0xb8;
	[tilespmem:$0x6A78] =	vst v63  }
0x26: {  	s31 =	simm.s32 $0x180  }
0x27: {  	[spmem:s1] =	stream.indirect.scatter.add.f32 [tilespmem:s8], [sflag:$0x4], $0x1, s31, s10, $0xb8;
	[tilespmem:$0x6A78] =	vst v63  }
0x28: {  	_ =	swait.ge [sflag:s11], $0x50  }
0x29: {  	[sflag:s11] =	ssyncset.done $0x0  }
0x2a: {  	[sflag:s11] =	ssyncadd.s32 $0xFFFFFFB0  }
0x2b: {  	_ =	swait.ge [sflag:s12], $0x50  }
0x2c: {  	[sflag:s12] =	ssyncset.done $0x0  }
0x2d: {  	[sflag:s12] =	ssyncadd.s32 $0xFFFFFFB0  }
0x2e: {  	_ =	swait.ge [sflag:s13], $0x50  }
0x2f: {  	[sflag:s13] =	ssyncset.done $0x0  }
0x30: {  	[sflag:s13] =	ssyncadd.s32 $0xFFFFFFB0  }
0x31: {  	_ =	swait.ge [sflag:s14], $0x50  }
0x32: {  	s18 =	simm.s32 $0x1000;
	s17 =	simm.s32 $0x800;
	[sflag:s14] =	ssyncset.done $0x0  }
.LBB2_2:
0x33: {  	s19 =	sshra.s32 s17, $0x2  }
0x34: {  	[sflag:s14] =	ssyncadd.s32 $0xFFFFFFB0;
	s17 =	smov.u32 s18;
	s20 =	sadd.s32 $0x800, s18  }
0x35: {  	[spmem:s1] =	stream.indirect.scatter.add.f32 [tilespmem:s8], [sflag:$0x1], $0x1, s19, s10, $0xb8;
	[tilespmem:$0x6A78] =	vst v63  }
0x36: {  	p1 =	sne.s32 s18, $0xF000;
	s18 =	sadd.s32 $0x80, s19  }
0x37: {  	[spmem:s1] =	stream.indirect.scatter.add.f32 [tilespmem:s8], [sflag:$0x2], $0x1, s18, s10, $0xb8;
	[tilespmem:$0x6A78] =	vst v63  }
0x38: {  	s18 =	sadd.s32 $0x100, s19  }
0x39: {  	[spmem:s1] =	stream.indirect.scatter.add.f32 [tilespmem:s8], [sflag:$0x3], $0x1, s18, s10, $0xb8;
	[tilespmem:$0x6A78] =	vst v63  }
0x3a: {  	s18 =	sadd.s32 $0x180, s19  }
0x3b: {  	[spmem:s1] =	stream.indirect.scatter.add.f32 [tilespmem:s8], [sflag:$0x4], $0x1, s18, s10, $0xb8;
	[tilespmem:$0x6A78] =	vst v63  }
0x3c: {  	_ =	swait.ge [sflag:s11], $0x50  }
0x3d: {  	[sflag:s11] =	ssyncset.done $0x0  }
0x3e: {  	[sflag:s11] =	ssyncadd.s32 $0xFFFFFFB0  }
0x3f: {  	_ =	swait.ge [sflag:s12], $0x50  }
0x40: {  	[sflag:s12] =	ssyncset.done $0x0  }
0x41: {  	[sflag:s12] =	ssyncadd.s32 $0xFFFFFFB0  }
.Ltmp0:
0x42: {  	_ =	swait.ge [sflag:s13], $0x50;
	(pc) =	sbr.rel @p1 .LBB2_2-.Ltmp0, $4  }
0x43: {  	[sflag:s13] =	ssyncset.done $0x0  }
0x44: {  	[sflag:s13] =	ssyncadd.s32 $0xFFFFFFB0  }
0x45: {  	_ =	swait.ge [sflag:s14], $0x50  }
0x46: {  	s18 =	smov.u32 s20;
	[sflag:s14] =	ssyncset.done $0x0  }
0x47: {  	s17 =	sshra.s32 s17, $0x2;
	[sflag:s14] =	ssyncadd.s32 $0xFFFFFFB0  }
0x48: {  	[spmem:s1] =	stream.indirect.scatter.add.f32 [tilespmem:s8], [sflag:$0x1], $0x1, s17, s10, $0xb8;
	[tilespmem:$0x6A78] =	vst v63  }
0x49: {  	s18 =	sadd.s32 $0x80, s17  }
0x4a: {  	[spmem:s1] =	stream.indirect.scatter.add.f32 [tilespmem:s8], [sflag:$0x2], $0x1, s18, s10, $0xb8;
	[tilespmem:$0x6A78] =	vst v63  }
0x4b: {  	s31 =	sadd.s32 $0x100, s17  }
0x4c: {  	[spmem:s1] =	stream.indirect.scatter.add.f32 [tilespmem:s8], [sflag:$0x3], $0x1, s31, s10, $0xb8;
	[tilespmem:$0x6A78] =	vst v63  }
0x4d: {  	s17 =	sadd.s32 $0x180, s17  }
0x4e: {  	[spmem:s1] =	stream.indirect.scatter.add.f32 [tilespmem:s8], [sflag:$0x4], $0x1, s17, s10, $0xb8;
	[tilespmem:$0x6A78] =	vst v63  }
0x4f: {  	_ =	swait.ge [sflag:s11], $0x50  }
0x50: {  	[sflag:s11] =	ssyncset.done $0x0  }
0x51: {  	[sflag:s11] =	ssyncadd.s32 $0xFFFFFFB0  }
0x52: {  	_ =	swait.ge [sflag:s12], $0x50  }
0x53: {  	[sflag:s12] =	ssyncset.done $0x0  }
0x54: {  	[sflag:s12] =	ssyncadd.s32 $0xFFFFFFB0  }
0x55: {  	_ =	swait.ge [sflag:s13], $0x50  }
0x56: {  	[sflag:s13] =	ssyncset.done $0x0  }
0x57: {  	[sflag:s13] =	ssyncadd.s32 $0xFFFFFFB0  }
0x58: {  	_ =	swait.ge [sflag:s14], $0x50  }
0x59: {  	[sflag:s14] =	ssyncset.done $0x0  }
0x5a: {  	[sflag:s14] =	ssyncadd.s32 $0xFFFFFFB0  }
0x5b: {  	[spmem:s1] =	stream.indirect.scatter.add.f32 [tilespmem:s8], [sflag:$0x5], $0x1, s15, s10, $0xb8;
	[tilespmem:$0x6A78] =	vst v63  }
0x5c: {  	_ =	swait.ge [sflag:s9], $0x50  }
0x5d: {  	[sflag:s9] =	ssyncset.done $0x0  }
0x5e: {  	[sflag:s9] =	ssyncadd.s32 $0xFFFFFFB0  }
0x5f: {  	s18 =	simm.s32 @!p0 $0x5;
	s17 =	simm.s32 @!p0 $0x4000;
	[bflag:$0x0] =	sbarrier.arrive $0xFFFF  }
0x60: {  	[tilespmem:s17], [sflag:$0x5] =	stream.linear.gather @!p0 [spmem:s1], $0x2780, $0x38;
	[tilespmem:$0x6A78] =	vst v63  }
0x61: {  	s16 =	sadd.s32 $0x1, s16;
	_ =	swait.ge @!p0 [sflag:s18], $0x2780  }
0x62: {  	s19 =	simm.s32 @!p0 $0x80;
	p1 =	sne.s32 s16, s7;
	[sflag:s18] =	ssyncset.done @!p0 $0x0  }
.Ltmp1:
0x63: {  	s20 =	simm.s32 @!p0 $0x100;
	[sflag:s18] =	ssyncadd.s32 @!p0 $0xFFFFD880;
	(pc) =	sbr.rel @p1 .LBB2_1-.Ltmp1, $4  }
0x64: {  	[hbm4b:s6+s19] =	stream.strided.scatter @!p0 [tilespmem:s17], [sflag:$0x5], $0x2780, s20, s19, $0x38;
	[tilespmem:$0x6A78] =	vst v63  }
0x65: {  	_ =	swait.ge @!p0 [sflag:s18], $0x2780  }
0x66: {  	[sflag:s18] =	ssyncset.done @!p0 $0x0  }
0x67: {  	[sflag:s18] =	ssyncadd.s32 @!p0 $0xFFFFD880  }
0x68: {  	_ =	sfence.sel $0x180000  }
0x69: {  	[bflag:$0x0] =	sbarrier.arrive $0xFFFF  }
0x6a: {  	_ =	strace $0x90000047  }
0x6b: {  	s0 =	sadd.s32 @!p0 $0x100000, s0;
	[bflag:$0x2] =	sbarrier.arrive $0xFFFF  }
0x6c: {  	[sflag:s0] =	ssyncadd.tile.s32 @!p0 $0x1;
	_ =	shalt  }
.Lfunc_end2:
_tile_overlayer_lowered:
.L_overlay_start_2:
0x6d: {  	(tag) =	ssettag $0x2  }
0x6e: {  	s0 =	rddreg [dreg:$0x0];
	s2 =	stileid.u32  }
0x6f: {  	s1 =	rddreg [dreg:$0x1];
	p0 =	sne.s32 s2, $0x0  }
0x70: {  	s3 =	rddreg [dreg:$0x2];
	[bflag:$0x3] =	sbarrier.arrive $0xFFFF;
	s2 =	simm.s32 @!p0 $0x1C05  }
0x71: {  	[timem:s3], [sflag:s2] =	dma.local @!p0 [hbm:s0], s1  }
0x72: {  	s0 =	simm.s32 @!p0 $0x5  }
0x73: {  	_ =	swait.ge @!p0 [sflag:s0], s1  }
0x74: {  	s1 =	ssub.s32 @!p0 $0x0, s1;
	[sflag:s0] =	ssyncset.done @!p0 $0x0  }
0x75: {  	[sflag:s0] =	ssyncadd.s32 @!p0 s1  }
0x76: {  	[bflag:$0x3] =	sbarrier.arrive $0xFFFF  }
0x77: {  	_ =	shalt  }

// kernel: kernel.9.cloned.1.call-start
scs
__scs_entry_jumppad:
0x0: {  	(pc) =	sbr.rel $0x88, $3  }
0x1: {  	(tag) =	ssettag $0x0;
	lr =	simm.s32 $0x1  }
0x2: {  	[smem:$0x3F9D] =	sst lr;
	_ =	strace $0xD0000000  }
0x3: {  	_ = 	snop  }
0x4: {  	_ = 	snop  }
0x5: {  	_ = 	snop  }
0x6: {  	_ = 	snop  }
0x7: {  	_ = 	snop  }
__scs_overlays_trampoline_lowered:
0x8: {  	[smem:$0x3FAC] =	sst s0  }
0x9: {  	[smem:$0x3FAD] =	sst s1  }
0xa: {  	[smem:$0x3FAE] =	sst s2  }
0xb: {  	[smem:$0x3FAF] =	sst s3  }
0xc: {  	[smem:$0x3FB0] =	sst s4  }
0xd: {  	[smem:$0x3FB1] =	sst s5  }
0xe: {  	[smem:$0x3FB2] =	sst s6  }
0xf: {  	[smem:$0x3FB3] =	sst s7  }
0x10: {  	[smem:$0x3FB4] =	sst s8  }
0x11: {  	[smem:$0x3FB5] =	sst s9;
	s0 =	simm.s32 @!p0 $0x0  }
0x12: {  	s1 =	sld [smem:$0x3F9B];
	s0 =	simm.s32 @p0 $0x1  }
0x13: {  	[smem:$0x3FB6] =	sst s0;
	s0 =	simm.s32 @!p1 $0x0  }
0x14: {  	s2 =	sld [smem:$0x3F9A];
	s0 =	simm.s32 @p1 $0x1  }
0x15: {  	[smem:$0x3FB7] =	sst s0;
	s0 =	simm.s32 @!p2 $0x0  }
0x16: {  	s3 =	sld [smem:$0x3FDB];
	s0 =	simm.s32 @p2 $0x1  }
0x17: {  	s4 =	simm.s32 $0x1BF5;
	[smem:$0x3FB9] =	sst s0  }
0x18: {  	s0 =	sld [smem:$0x3F9C];
	_ =	swait.ge [sflag:s4], $0x0  }
0x19: {  	s7 =	sld [smem:$0x3F9D]  }
0x1a: {  	s8 =	sadd.s32 $0xFFFFE003, lr  }
0x1b: {  	s9 =	sadd.s32 $0xFFFFFEF7, lr;
	s5 =	simm.s32 $0xFFFFFFFF;
	p2 =	slt.u32 s8, $0xFFFFF086  }
0x1c: {  	p1 =	slt.u32 s9, $0xF7A;
	s5 =	simm.s32 @!p2 $0x0  }
0x1d: {  	s5 =	simm.s32 @p1 $0x1;
	p0 =	seq.s32 s7, s2  }
0x1e: {  	s7 =	smul.u32 @!p0 $0xF7A, s2;
	p2 =	seq.s32 @!p0 s5, $0x0  }
0x1f: {  	s9 =	smul.u32 $0xF7A, s1;
	s8 =	simm.s32 @!p0 $0x1BF5;
	p2 =	por !p2, p0  }
0x20: {  	[sflag:s8] =	ssyncset.s32 @!p0 $0xFFFFF086;
	s6 =	sadd.s32 @!p0 s3, s7;
	s7 =	simm.s32 @!p0 $0x108  }
0x21: {  	s3 =	sadd.s32 s3, s9;
	s6 =	sadd.s32 @!p0 $0x88, s6;
	s7 =	simm.s32 @p2 $0x1082  }
0x22: {  	[simem:s7], [sflag:s8] =	dma.local @!p0 [hbm:s6], $0xF7A  }
0x23: {  	s9 =	sor.u32 $0xD0000000, s2;
	s6 =	simm.s32 $0x108;
	_ =	swait.ge @!p0 [sflag:s8], $0x0  }
0x24: {  	s3 =	sadd.s32 $0x88, s3;
	s6 =	simm.s32 @!p1 $0x1082;
	[sflag:s4] =	ssyncset.s32 $0xFFFFF086  }
0x25: {  	[simem:s6], [sflag:s4] =	dma.local [hbm:s3], $0xF7A  }
0x26: {  	[smem:$0x3F9D] =	sst s1;
	(tag) =	ssettag s2;
	_ =	strace s9  }
0x27: {  	s1 =	sld [smem:$0x3FAD]  }
0x28: {  	s2 =	sld [smem:$0x3FAE]  }
0x29: {  	s4 =	sld [smem:$0x3FB0]  }
0x2a: {  	p0 =	seq.s32 s5, $0x0;
	s5 =	sld [smem:$0x3FB1]  }
0x2b: {  	s6 =	sld [smem:$0x3FB2]  }
0x2c: {  	s7 =	sld [smem:$0x3FB3]  }
0x2d: {  	s3 =	simm.s32 $0x108;
	s8 =	sld [smem:$0x3FB4]  }
0x2e: {  	s3 =	simm.s32 @!p0 $0x1082;
	s9 =	sld [smem:$0x3FB5]  }
0x2f: {  	lr =	sadd.s32 s0, s3;
	s0 =	sld [smem:$0x3FAC]  }
0x30: {  	s3 =	sld [smem:$0x3FAF]  }
0x31: {  	[smem:$0x3FB8] =	sst s10  }
0x32: {  	s10 =	sld [smem:$0x3FB6];
	_ =	sdelay $0x3  }
0x33: {  	p0 =	seq.s32 s10, $0x1;
	s10 =	sld [smem:$0x3FB8];
	_ =	sdelay $0x3  }
0x34: {  	[smem:$0x3FB8] =	sst s10  }
0x35: {  	s10 =	sld [smem:$0x3FB7];
	_ =	sdelay $0x3  }
0x36: {  	p1 =	seq.s32 s10, $0x1;
	s10 =	sld [smem:$0x3FB8];
	_ =	sdelay $0x3  }
0x37: {  	[smem:$0x3FB8] =	sst s10  }
0x38: {  	s10 =	sld [smem:$0x3FB9]  }
0x39: {  	_ = 	snop;
	(pc) =	sbr.ind lr, $3  }
0x3a: {  	_ = 	snop  }
0x3b: {  	_ = 	snop  }
0x3c: {  	p2 =	seq.s32 s10, $0x1;
	s10 =	sld [smem:$0x3FB8]  }
0x3d: {  	_ =	shalt  }
0x3e: {  	_ =	shalt  }
0x3f: {  	_ =	shalt  }
0x40: {  	_ =	shalt  }
0x41: {  	_ =	shalt  }
0x42: {  	_ =	shalt  }
0x43: {  	_ =	shalt  }
0x44: {  	_ =	shalt  }
0x45: {  	_ =	shalt  }
0x46: {  	_ =	shalt  }
0x47: {  	_ =	shalt  }
0x48: {  	_ =	shalt  }
0x49: {  	_ =	shalt  }
0x4a: {  	_ =	shalt  }
0x4b: {  	_ =	shalt  }
0x4c: {  	_ =	shalt  }
0x4d: {  	_ =	shalt  }
0x4e: {  	_ =	shalt  }
0x4f: {  	_ =	shalt  }
0x50: {  	_ =	shalt  }
0x51: {  	_ =	shalt  }
0x52: {  	_ =	shalt  }
0x53: {  	_ =	shalt  }
0x54: {  	_ =	shalt  }
0x55: {  	_ =	shalt  }
0x56: {  	_ =	shalt  }
0x57: {  	_ =	shalt  }
0x58: {  	_ =	shalt  }
0x59: {  	_ =	shalt  }
0x5a: {  	_ =	shalt  }
0x5b: {  	_ =	shalt  }
0x5c: {  	_ =	shalt  }
0x5d: {  	_ =	shalt  }
0x5e: {  	_ =	shalt  }
0x5f: {  	_ =	shalt  }
0x60: {  	_ =	shalt  }
0x61: {  	_ =	shalt  }
0x62: {  	_ =	shalt  }
0x63: {  	_ =	shalt  }
0x64: {  	_ =	shalt  }
0x65: {  	_ =	shalt  }
0x66: {  	_ =	shalt  }
0x67: {  	_ =	shalt  }
0x68: {  	_ =	shalt  }
0x69: {  	_ =	shalt  }
0x6a: {  	_ =	shalt  }
0x6b: {  	_ =	shalt  }
0x6c: {  	_ =	shalt  }
0x6d: {  	_ =	shalt  }
0x6e: {  	_ =	shalt  }
0x6f: {  	_ =	shalt  }
0x70: {  	_ =	shalt  }
0x71: {  	_ =	shalt  }
0x72: {  	_ =	shalt  }
0x73: {  	_ =	shalt  }
0x74: {  	_ =	shalt  }
0x75: {  	_ =	shalt  }
0x76: {  	_ =	shalt  }
0x77: {  	_ =	shalt  }
0x78: {  	_ =	shalt  }
0x79: {  	_ =	shalt  }
0x7a: {  	_ =	shalt  }
0x7b: {  	_ =	shalt  }
0x7c: {  	_ =	shalt  }
0x7d: {  	_ =	shalt  }
0x7e: {  	_ =	shalt  }
0x7f: {  	_ =	shalt  }
0x80: {  	_ =	shalt  }
0x81: {  	_ =	shalt  }
0x82: {  	_ =	shalt  }
0x83: {  	_ =	shalt  }
0x84: {  	_ =	shalt  }
0x85: {  	_ =	shalt  }
0x86: {  	_ =	shalt  }
0x87: {  	_ =	shalt  }
.Lfunc_end0:
.L_simem_size_0:
called_computation.1_lowered:
.L_overlay_start_0:
0x88: {  	s2 =	sld [smem:$0x3FD9]  }
0x89: {  	s3 =	sld [smem:$0x3FFE];
	_ =	sdelay $0x1  }
0x8a: {  	s1 =	srdreg.scid  }
0x8b: {  	s0 =	sand.u32 $0x1, s1  }
0x8c: {  	s17 =	sshll.u32 s0, $0xA;
	s2 =	sadd.s32 s3, s2  }
0x8d: {  	s2 =	sadd.s32 s2, s17  }
0x8e: {  	[smem:$0x3FC4] =	sst s2  }
0x8f: {  	_ = 	snop  }
0x90: {  	s2 =	sld [smem:$0x3FD0];
	(tm) =	ssettm $0x1  }
0x91: {  	s18 =	sld [smem:$0x3FFB];
	_ =	sdelay $0x3  }
0x92: {  	_ =	strace s18  }
0x93: {  	s3 =	sld [smem:$0x3FFC];
	_ =	sdelay $0x3  }
0x94: {  	_ =	strace s3  }
0x95: {  	s3 =	sld [smem:$0x3FFD];
	_ =	sdelay $0x3  }
0x96: {  	_ =	strace s3  }
0x97: {  	_ =	strace $0x8FFFFFFF  }
0x98: {  	s19 =	sld [smem:$0x3FDB];
	_ =	sdelay $0x1  }
0x99: {  	s4 =	simm.s32 $_scs_section_size  }
0x9a: {  	s5 =	simm.s32 $_size__tile_overlayer_lowered;
	s6 =	simm.s32 $_tile_overlayer_lowered  }
0x9b: {  	s22 =	simm.s32 $0x1BFF;
	s21 =	sshll.u32 s6, $0x1;
	s3 =	sadd.s32 s4, s19  }
0x9c: {  	s7 =	simm.s32 $0x0;
	s20 =	sshll.u32 s5, $0x1;
	s5 =	sadd.s32 s21, s3  }
0x9d: {  	[timem:s7], [sflag:s22] =	dma.local [hbm:s5], s20  }
0x9e: {  	_ =	swait.ge [sflag:s22], s20  }
0x9f: {  	s4 =	ssub.s32 $0x0, s20;
	[sflag:s22] =	ssyncset.done $0x0  }
0xa0: {  	[sflag:s22] =	ssyncadd.s32 s4;
	_ =	sdelay $0x1  }
0xa1: {  	s23 =	simm.s32 $0x1B8B  }
0xa2: {  	_ =	swait.ge [sflag:s23], $0x1  }
0xa3: {  	[sflag:s23] =	ssyncset.done $0x0  }
0xa4: {  	s25 =	simm.s32 $0x1B8E;
	s24 =	sld [smem:$0x3FFE];
	[sflag:s23] =	ssyncadd.s32 $0xFFFFFFFF  }
0xa5: {  	s26 =	simm.s32 $execute0_lowered;
	[smem:$0x3FD2] =	sst s25  }
0xa6: {  	s5 =	sshll.u32 s26, $0x1;
	_ =	strace $0x80000049;
	[dreg:$0x1] =	wrdreg $0xFFFFFFFF  }
0xa7: {  	s28 =	simm.s32 $_size_execute0_lowered;
	s3 =	sadd.s32 s3, s5;
	[dreg:$0x0] =	wrdreg $0x0  }
0xa8: {  	s5 =	sshll.u32 s28, $0x1;
	[dreg:$0x2] =	wrdreg s3  }
0xa9: {  	[dreg:$0x3] =	wrdreg s5  }
0xaa: {  	[dreg:$0x4] =	wrdreg $0xC0  }
0xab: {  	_ =	task [dreg:s7], $0x5FFFF  }
0xac: {  	[dreg:$0x1] =	wrdreg $0xFFFFFFFF  }
0xad: {  	[dreg:$0x0] =	wrdreg $0x60  }
0xae: {  	[dreg:$0x2] =	wrdreg s2  }
0xaf: {  	[dreg:$0x3] =	wrdreg s24  }
0xb0: {  	[dreg:$0x4] =	wrdreg $0xC0000  }
0xb1: {  	[dreg:$0x5] =	wrdreg $0x9  }
0xb2: {  	_ =	task.clear_ibuf [dreg:s7], $0x6FFFF;
	_ =	strace $0x90000049  }
0xb3: {  	s29 =	simm.s32 $0x9;
	_ =	strace $0x8000004B  }
0xb4: {  	_ =	swait.ge [sflag:s29], $0x1  }
0xb5: {  	[sflag:s29] =	ssyncadd.s32 $0xFFFFFFFF  }
0xb6: {  	_ =	strace $0x9000004B  }
0xb7: {  	_ =	sfence  }
0xb8: {  	s30 =	sld [smem:$0x0];
	_ =	sdelay $0x2  }
0xb9: {  	s31 =	sshll.u32 s1, $0xD;
	s1 =	sshrl.u32 s1, $0x2  }
0xba: {  	s3 =	sand.u32 $0x4000, s31;
	s1 =	sadd.s32 s1, s30  }
0xbb: {  	s0 =	sor.u32 s3, s0;
	s1 =	sshll.u32 s1, $0x11  }
0xbc: {  	s0 =	sor.u32 s1, s0  }
0xbd: {  	s0 =	sadd.s32 $0x8F2B, s0  }
0xbe: {  	[sflag:s0] =	ssyncadd.remote.s32 $0x1  }
0xbf: {  	_ =	sfence.sel $0xFFFF  }
0xc0: {  	[dreg:$0x0] =	wrdreg $0xFFFFFFFF;
	(pc) =	sbr.abs _section_cstart, $3  }
0xc1: {  	[dreg:$0x1] =	wrdreg $0xFFFFFFFF  }
0xc2: {  	_ =	task.clear_ibuf [dreg:s7], $0x2FFFF;
	_ =	strace $0x9FFFFFFF  }
0xc3: {  	(tm) =	ssettm $0x7FFFFFFF  }
tec
execute0_lowered:
.L_overlay_start_1:
0x0: {  	(tag) =	ssettag $0x1  }
0x1: {  	s1 =	rddreg [dreg:$0x0]  }
0x2: {  	s5 =	rddreg [dreg:$0x1]  }
0x3: {  	s3 =	rddreg [dreg:$0x2];
	s4 =	simm.s32 $0x0  }
0x4: {  	s26 =	simm.s32 $0x80;
	[smem:$0x7FF] =	sst s4  }
0x5: {  	s8 =	simm.s32 $0x100;
	_ =	strace $0x8000004A;
	[dreg:$0x6] =	wrdreg s26  }
0x6: {  	s9 =	simm.s32 $0x180;
	[dreg:$0x8] =	wrdreg s8  }
0x7: {  	s10 =	simm.s32 $0x1100;
	[dreg:$0x9] =	wrdreg s9  }
0x8: {  	s11 =	simm.s32 $0x1180;
	[dreg:$0xa] =	wrdreg s10  }
0x9: {  	s12 =	simm.s32 $0x200;
	[dreg:$0xb] =	wrdreg s11  }
0xa: {  	s13 =	simm.s32 $0x280;
	[dreg:$0xc] =	wrdreg s12  }
0xb: {  	s14 =	simm.s32 $0x1200;
	[dreg:$0xd] =	wrdreg s13  }
0xc: {  	s16 =	simm.s32 $0x1280;
	[dreg:$0xe] =	wrdreg s14  }
0xd: {  	s17 =	simm.s32 $0x300;
	[dreg:$0xf] =	wrdreg s16  }
0xe: {  	s18 =	simm.s32 $0x380;
	[dreg:$0x10] =	wrdreg s17  }
0xf: {  	s0 =	srdreg.scid;
	s19 =	simm.s32 $0x1300;
	[dreg:$0x11] =	wrdreg s18  }
0x10: {  	s7 =	stileid.u32;
	s21 =	simm.s32 $0x1380;
	[dreg:$0x12] =	wrdreg s19  }
0x11: {  	s22 =	simm.s32 $0x400;
	s23 =	simm.s32 $0x480;
	[dreg:$0x13] =	wrdreg s21  }
0x12: {  	s24 =	simm.s32 $0x1400;
	s25 =	simm.s32 $0x1480;
	[dreg:$0x14] =	wrdreg s22  }
0x13: {  	s28 =	simm.s32 $0x1A00;
	s29 =	simm.s32 $0x1A80;
	[dreg:$0x15] =	wrdreg s23  }
0x14: {  	s30 =	simm.s32 $0xB00;
	s31 =	simm.s32 $0xB80;
	[dreg:$0x16] =	wrdreg s24  }
0x15: {  	s0 =	sand.u32 $0x1, s0;
	s8 =	sadd.s32 $0x1C00, s5;
	[dreg:$0x17] =	wrdreg s25  }
0x16: {  	s2 =	sshll.u32 s7, $0x1;
	s26 =	simm.s32 $0x500;
	[smem:$0x7F0] =	sst s8  }
0x17: {  	p0 =	seq.s32 s7, $0xF;
	s10 =	simm.s32 $0x1500;
	[dreg:$0x18] =	wrdreg s26  }
0x18: {  	s2 =	sor.u32 s0, s2;
	s11 =	simm.s32 $0x1580;
	[dreg:$0x1a] =	wrdreg s10  }
0x19: {  	s15 =	smul.u32 $0x27100, s0;
	s13 =	simm.s32 $0x600;
	[dreg:$0x1b] =	wrdreg s11  }
0x1a: {  	s0 =	ssub.s32 $0x2, s0;
	s14 =	simm.s32 $0x680;
	[dreg:$0x1c] =	wrdreg s13  }
0x1b: {  	s9 =	smul.u32 $0x50000, s7;
	s16 =	simm.s32 $0x1600;
	[dreg:$0x1d] =	wrdreg s14  }
0x1c: {  	s17 =	simm.s32 $0x1680;
	s18 =	simm.s32 $0x700;
	[dreg:$0x1e] =	wrdreg s16  }
0x1d: {  	s19 =	simm.s32 $0x780;
	s21 =	simm.s32 $0x1780;
	[dreg:$0x1f] =	wrdreg s17  }
0x1e: {  	s22 =	simm.s32 $0x800;
	s23 =	simm.s32 $0x880;
	[smem:$0x7F5] =	sst s18  }
0x1f: {  	s24 =	simm.s32 $0x1800;
	s25 =	simm.s32 $0x1880;
	[smem:$0x7F6] =	sst s19  }
0x20: {  	s2 =	smul.u32 $0xA00, s2;
	s20 =	sshrl.u32 s0, $0x1;
	[smem:$0x7F8] =	sst s21  }
0x21: {  	s8 =	simm.s32 $0x5;
	s13 =	simm.s32 $0x1000;
	[smem:$0x7F9] =	sst s22  }
0x22: {  	s14 =	simm.s32 $0x50;
	s16 =	simm.s32 $0x1;
	[smem:$0x7FA] =	sst s23  }
0x23: {  	s17 =	simm.s32 $0x2;
	s18 =	simm.s32 $0x3;
	[smem:$0x7FB] =	sst s24  }
0x24: {  	s19 =	simm.s32 $0x7000;
	s21 =	simm.s32 $0x4;
	[smem:$0x7FC] =	sst s25  }
0x25: {  	s26 =	simm.s32 $0x900;
	s11 =	simm.s32 $0x980;
	s23 =	simm.s32 $0x1900  }
0x26: {  	s24 =	simm.s32 $0x1980;
	s25 =	simm.s32 $0xA00;
	s10 =	simm.s32 $0x0  }
0x27: {  	s0 =	ssub.s32 s0, s20;
	s8 =	simm.s32 @!p0 $0x8;
	s12 =	sshrl.u32 s9, $0x2  }
0x28: {  	s20 =	simm.s32 $0x1700;
	[smem:$0x7FD] =	sst s26;
	s26 =	simm.s32 $0xA80  }
0x29: {  	s9 =	simm.s32 $0x1C00;
	s2 =	sadd.s32 s2, s5;
	[smem:$0x7F1] =	sst s8  }
0x2a: {  	s5 =	sadd.s32 s15, s5;
	s0 =	smax.u32 s0, $0x1;
	[smem:$0x7F7] =	sst s20  }
0x2b: {  	s15 =	smul.u32 $0x2800, s7;
	s6 =	sadd.s32 $0x17200, s2;
	[smem:$0x7F2] =	sst s0  }
0x2c: {  	s20 =	simm.s32 $0x9800;
	s2 =	sadd.s32 $0x3200, s2;
	[dreg:$0x4] =	wrdreg s6  }
0x2d: {  	s8 =	sadd.s32 $0x79400, s5;
	s5 =	simm.s32 $0x580;
	[dreg:$0x5] =	wrdreg s2  }
0x2e: {  	s0 =	simm.s32 $0x1B80;
	s6 =	simm.s32 $0x1080;
	[dreg:$0x19] =	wrdreg s5  }
0x2f: {  	s2 =	sadd.s32 s12, s3;
	[smem:$0x7F4] =	sst s15;
	s12 =	simm.s32 $0x2000  }
0x30: {  	s15 =	simm.s32 $0x4800;
	s5 =	simm.s32 $0xC00;
	[dreg:$0x7] =	wrdreg s6  }
0x31: {  	s6 =	simm.s32 $0x5;
	[smem:$0x7F3] =	sst s2;
	s2 =	simm.s32 $0x1B00  }
.LBB2_1:
0x32: {  	s7 =	sld [smem:$0x7F0];
	_ =	sdelay $0x1  }
0x33: {  	[smem:$0x7EF] =	sst s10  }
0x34: {  	[tilespmem:s12], [sflag:$0x5] =	stream.linear.gather [hbm4b:s7+s4], $0x2800, $0x38;
	[tilespmem:$0x1F880] =	vst v63  }
0x35: {  	_ =	swait.ge [sflag:s6], $0x2800  }
0x36: {  	s22 =	sld [smem:$0x7F1];
	_ =	sdelay $0x2  }
0x37: {  	s10 =	sld [smem:$0x7F3];
	p0 =	sne.s32 s22, $0x1  }
.Ltmp0:
0x38: {  	[sflag:s6] =	ssyncset.done $0x0;
	(pc) =	sbr.rel @!p0 .LBB2_3-.Ltmp0, $4  }
0x39: {  	[sflag:s6] =	ssyncadd.s32 $0xFFFFD800  }
0x3a: {  	[spmem:s10] =	stream.linear.scatter [tilespmem:s12], [sflag:$0x5], $0x2800, $0x38;
	[tilespmem:$0x1F880] =	vst v63  }
0x3b: {  	_ =	swait.ge [sflag:s6], $0x2800  }
0x3c: {  	s7 =	sadd.s32 $0xFFFFFFFF, s22;
	[sflag:s6] =	ssyncset.done $0x0  }
.LBB2_2:
0x3d: {  	p1 =	sne.s32 s7, $0x1;
	[sflag:s6] =	ssyncadd.s32 $0xFFFFD800;
	s10 =	sadd.s32 $0x2800, s10  }
.Ltmp1:
0x3e: {  	s7 =	sadd.s32 $0xFFFFFFFF, s7;
	(pc) =	sbr.rel @p1 .LBB2_2-.Ltmp1, $4  }
0x3f: {  	_ = 	snop  }
0x40: {  	[spmem:s10] =	stream.linear.scatter [tilespmem:s12], [sflag:$0x5], $0x2800, $0x38;
	[tilespmem:$0x1F880] =	vst v63  }
0x41: {  	_ =	swait.ge [sflag:s6], $0x2800  }
0x42: {  	[sflag:s6] =	ssyncset.done $0x0  }
.LBB2_3:
0x43: {  	[sflag:s6] =	ssyncadd.s32 $0xFFFFD800  }
0x44: {  	[bflag:$0x0] =	sbarrier.arrive $0xFFFF  }
0x45: {  	s7 =	rddreg [dreg:$0x4]  }
0x46: {  	s7 =	sadd.s32 $0x0, s7  }
0x47: {  	[tilespmem:s4], [sflag:$0x5] =	stream.linear.gather [hbm4b:s7+s4], $0xC80, $0x38;
	[tilespmem:$0x1F880] =	vst v63  }
0x48: {  	_ =	swait.ge [sflag:s6], $0xC80  }
0x49: {  	s22 =	rddreg [dreg:$0x5];
	[sflag:s6] =	ssyncset.done $0x0  }
0x4a: {  	[sflag:s6] =	ssyncadd.s32 $0xFFFFF380;
	s7 =	sadd.s32 $0x0, s22  }
0x4b: {  	[tilespmem:s13], [sflag:$0x3] =	stream.linear.gather [hbm4b:s7+s4], $0xC80, $0x38;
	[tilespmem:$0x1F880] =	vst v63  }
0x4c: {  	_ = 	snop  }
0x4d: {  	[tilespmem:s12], [sflag:$0x1] =	stream.indirect.gather [hbm4b:s1+s14], $0x80, s4, s14, $0xb8;
	[tilespmem:$0x1F880] =	vst v63  }
0x4e: {  	s10 =	rddreg [dreg:$0x6]  }
0x4f: {  	[tilespmem:s15], [sflag:$0x2] =	stream.indirect.gather [hbm4b:s1+s14], $0x80, s10, s14, $0xb8;
	[tilespmem:$0x1F880] =	vst v63  }
0x50: {  	_ =	swait.ge [sflag:s16], $0x2800  }
0x51: {  	[sflag:s16] =	ssyncset.done $0x0  }
0x52: {  	[sflag:s16] =	ssyncadd.s32 $0xFFFFD800  }
0x53: {  	_ =	swait.ge [sflag:s17], $0x2800  }
0x54: {  	[sflag:s17] =	ssyncset.done $0x0  }
0x55: {  	[sflag:s17] =	ssyncadd.s32 $0xFFFFD800  }
0x56: {  	_ =	swait.ge [sflag:s18], $0xC80  }
0x57: {  	[sflag:s18] =	ssyncset.done $0x0  }
0x58: {  	[sflag:s18] =	ssyncadd.s32 $0xFFFFF380  }
0x59: {  	[spmem:s3] =	stream.indirect.scatter.add.f32 [tilespmem:s12], [sflag:$0x1], $0x80, s13, s14, $0xb8;
	[tilespmem:$0x1F880] =	vst v63  }
0x5a: {  	s22 =	rddreg [dreg:$0x7]  }
0x5b: {  	[spmem:s3] =	stream.indirect.scatter.add.f32 [tilespmem:s15], [sflag:$0x2], $0x80, s22, s14, $0xb8;
	[tilespmem:$0x1F880] =	vst v63  }
0x5c: {  	s10 =	rddreg [dreg:$0x8]  }
0x5d: {  	[tilespmem:s19], [sflag:$0x3] =	stream.indirect.gather [hbm4b:s1+s14], $0x80, s10, s14, $0xb8;
	[tilespmem:$0x1F880] =	vst v63  }
0x5e: {  	s22 =	rddreg [dreg:$0x9]  }
0x5f: {  	[tilespmem:s20], [sflag:$0x4] =	stream.indirect.gather [hbm4b:s1+s14], $0x80, s22, s14, $0xb8;
	[tilespmem:$0x1F880] =	vst v63  }
0x60: {  	_ =	swait.ge [sflag:s16], $0x2800  }
0x61: {  	[sflag:s16] =	ssyncset.done $0x0  }
0x62: {  	[sflag:s16] =	ssyncadd.s32 $0xFFFFD800  }
0x63: {  	_ =	swait.ge [sflag:s17], $0x2800  }
0x64: {  	[sflag:s17] =	ssyncset.done $0x0  }
0x65: {  	[sflag:s17] =	ssyncadd.s32 $0xFFFFD800  }
0x66: {  	_ =	swait.ge [sflag:s18], $0x2800  }
0x67: {  	[sflag:s18] =	ssyncset.done $0x0  }
0x68: {  	[sflag:s18] =	ssyncadd.s32 $0xFFFFD800  }
0x69: {  	_ =	swait.ge [sflag:s21], $0x2800  }
0x6a: {  	[sflag:s21] =	ssyncset.done $0x0  }
0x6b: {  	s10 =	rddreg [dreg:$0xa];
	[sflag:s21] =	ssyncadd.s32 $0xFFFFD800  }
0x6c: {  	[spmem:s3] =	stream.indirect.scatter.add.f32 [tilespmem:s19], [sflag:$0x3], $0x80, s10, s14, $0xb8;
	[tilespmem:$0x1F880] =	vst v63  }
0x6d: {  	s22 =	rddreg [dreg:$0xb]  }
0x6e: {  	[spmem:s3] =	stream.indirect.scatter.add.f32 [tilespmem:s20], [sflag:$0x4], $0x80, s22, s14, $0xb8;
	[tilespmem:$0x1F880] =	vst v63  }
0x6f: {  	s7 =	rddreg [dreg:$0xc]  }
0x70: {  	[tilespmem:s12], [sflag:$0x1] =	stream.indirect.gather [hbm4b:s1+s14], $0x80, s7, s14, $0xb8;
	[tilespmem:$0x1F880] =	vst v63  }
0x71: {  	s22 =	rddreg [dreg:$0xd]  }
0x72: {  	[tilespmem:s15], [sflag:$0x2] =	stream.indirect.gather [hbm4b:s1+s14], $0x80, s22, s14, $0xb8;
	[tilespmem:$0x1F880] =	vst v63  }
0x73: {  	_ =	swait.ge [sflag:s18], $0x2800  }
0x74: {  	[sflag:s18] =	ssyncset.done $0x0  }
0x75: {  	[sflag:s18] =	ssyncadd.s32 $0xFFFFD800  }
0x76: {  	_ =	swait.ge [sflag:s21], $0x2800  }
0x77: {  	[sflag:s21] =	ssyncset.done $0x0  }
0x78: {  	[sflag:s21] =	ssyncadd.s32 $0xFFFFD800  }
0x79: {  	_ =	swait.ge [sflag:s16], $0x2800  }
0x7a: {  	[sflag:s16] =	ssyncset.done $0x0  }
0x7b: {  	[sflag:s16] =	ssyncadd.s32 $0xFFFFD800  }
0x7c: {  	_ =	swait.ge [sflag:s17], $0x2800  }
0x7d: {  	[sflag:s17] =	ssyncset.done $0x0  }
0x7e: {  	s10 =	rddreg [dreg:$0xe];
	[sflag:s17] =	ssyncadd.s32 $0xFFFFD800  }
0x7f: {  	[spmem:s3] =	stream.indirect.scatter.add.f32 [tilespmem:s12], [sflag:$0x1], $0x80, s10, s14, $0xb8;
	[tilespmem:$0x1F880] =	vst v63  }
0x80: {  	s22 =	rddreg [dreg:$0xf]  }
0x81: {  	[spmem:s3] =	stream.indirect.scatter.add.f32 [tilespmem:s15], [sflag:$0x2], $0x80, s22, s14, $0xb8;
	[tilespmem:$0x1F880] =	vst v63  }
0x82: {  	s7 =	rddreg [dreg:$0x10]  }
0x83: {  	[tilespmem:s19], [sflag:$0x3] =	stream.indirect.gather [hbm4b:s1+s14], $0x80, s7, s14, $0xb8;
	[tilespmem:$0x1F880] =	vst v63  }
0x84: {  	s22 =	rddreg [dreg:$0x11]  }
0x85: {  	[tilespmem:s20], [sflag:$0x4] =	stream.indirect.gather [hbm4b:s1+s14], $0x80, s22, s14, $0xb8;
	[tilespmem:$0x1F880] =	vst v63  }
0x86: {  	_ =	swait.ge [sflag:s16], $0x2800  }
0x87: {  	[sflag:s16] =	ssyncset.done $0x0  }
0x88: {  	[sflag:s16] =	ssyncadd.s32 $0xFFFFD800  }
0x89: {  	_ =	swait.ge [sflag:s17], $0x2800  }
0x8a: {  	[sflag:s17] =	ssyncset.done $0x0  }
0x8b: {  	[sflag:s17] =	ssyncadd.s32 $0xFFFFD800  }
0x8c: {  	_ =	swait.ge [sflag:s18], $0x2800  }
0x8d: {  	[sflag:s18] =	ssyncset.done $0x0  }
0x8e: {  	[sflag:s18] =	ssyncadd.s32 $0xFFFFD800  }
0x8f: {  	_ =	swait.ge [sflag:s21], $0x2800  }
0x90: {  	[sflag:s21] =	ssyncset.done $0x0  }
0x91: {  	s10 =	rddreg [dreg:$0x12];
	[sflag:s21] =	ssyncadd.s32 $0xFFFFD800  }
0x92: {  	[spmem:s3] =	stream.indirect.scatter.add.f32 [tilespmem:s19], [sflag:$0x3], $0x80, s10, s14, $0xb8;
	[tilespmem:$0x1F880] =	vst v63  }
0x93: {  	s22 =	rddreg [dreg:$0x13]  }
0x94: {  	[spmem:s3] =	stream.indirect.scatter.add.f32 [tilespmem:s20], [sflag:$0x4], $0x80, s22, s14, $0xb8;
	[tilespmem:$0x1F880] =	vst v63  }
0x95: {  	s7 =	rddreg [dreg:$0x14]  }
0x96: {  	[tilespmem:s12], [sflag:$0x1] =	stream.indirect.gather [hbm4b:s1+s14], $0x80, s7, s14, $0xb8;
	[tilespmem:$0x1F880] =	vst v63  }
0x97: {  	s22 =	rddreg [dreg:$0x15]  }
0x98: {  	[tilespmem:s15], [sflag:$0x2] =	stream.indirect.gather [hbm4b:s1+s14], $0x80, s22, s14, $0xb8;
	[tilespmem:$0x1F880] =	vst v63  }
0x99: {  	_ =	swait.ge [sflag:s18], $0x2800  }
0x9a: {  	[sflag:s18] =	ssyncset.done $0x0  }
0x9b: {  	[sflag:s18] =	ssyncadd.s32 $0xFFFFD800  }
0x9c: {  	_ =	swait.ge [sflag:s21], $0x2800  }
0x9d: {  	[sflag:s21] =	ssyncset.done $0x0  }
0x9e: {  	[sflag:s21] =	ssyncadd.s32 $0xFFFFD800  }
0x9f: {  	_ =	swait.ge [sflag:s16], $0x2800  }
0xa0: {  	[sflag:s16] =	ssyncset.done $0x0  }
0xa1: {  	[sflag:s16] =	ssyncadd.s32 $0xFFFFD800  }
0xa2: {  	_ =	swait.ge [sflag:s17], $0x2800  }
0xa3: {  	[sflag:s17] =	ssyncset.done $0x0  }
0xa4: {  	s10 =	rddreg [dreg:$0x16];
	[sflag:s17] =	ssyncadd.s32 $0xFFFFD800  }
0xa5: {  	[spmem:s3] =	stream.indirect.scatter.add.f32 [tilespmem:s12], [sflag:$0x1], $0x80, s10, s14, $0xb8;
	[tilespmem:$0x1F880] =	vst v63  }
0xa6: {  	s22 =	rddreg [dreg:$0x17]  }
0xa7: {  	[spmem:s3] =	stream.indirect.scatter.add.f32 [tilespmem:s15], [sflag:$0x2], $0x80, s22, s14, $0xb8;
	[tilespmem:$0x1F880] =	vst v63  }
0xa8: {  	s7 =	rddreg [dreg:$0x18]  }
0xa9: {  	[tilespmem:s19], [sflag:$0x3] =	stream.indirect.gather [hbm4b:s1+s14], $0x80, s7, s14, $0xb8;
	[tilespmem:$0x1F880] =	vst v63  }
0xaa: {  	s22 =	rddreg [dreg:$0x19]  }
0xab: {  	[tilespmem:s20], [sflag:$0x4] =	stream.indirect.gather [hbm4b:s1+s14], $0x80, s22, s14, $0xb8;
	[tilespmem:$0x1F880] =	vst v63  }
0xac: {  	_ =	swait.ge [sflag:s16], $0x2800  }
0xad: {  	[sflag:s16] =	ssyncset.done $0x0  }
0xae: {  	[sflag:s16] =	ssyncadd.s32 $0xFFFFD800  }
0xaf: {  	_ =	swait.ge [sflag:s17], $0x2800  }
0xb0: {  	[sflag:s17] =	ssyncset.done $0x0  }
0xb1: {  	[sflag:s17] =	ssyncadd.s32 $0xFFFFD800  }
0xb2: {  	_ =	swait.ge [sflag:s18], $0x2800  }
0xb3: {  	[sflag:s18] =	ssyncset.done $0x0  }
0xb4: {  	[sflag:s18] =	ssyncadd.s32 $0xFFFFD800  }
0xb5: {  	_ =	swait.ge [sflag:s21], $0x2800  }
0xb6: {  	[sflag:s21] =	ssyncset.done $0x0  }
0xb7: {  	s10 =	rddreg [dreg:$0x1a];
	[sflag:s21] =	ssyncadd.s32 $0xFFFFD800  }
0xb8: {  	[spmem:s3] =	stream.indirect.scatter.add.f32 [tilespmem:s19], [sflag:$0x3], $0x80, s10, s14, $0xb8;
	[tilespmem:$0x1F880] =	vst v63  }
0xb9: {  	s22 =	rddreg [dreg:$0x1b]  }
0xba: {  	[spmem:s3] =	stream.indirect.scatter.add.f32 [tilespmem:s20], [sflag:$0x4], $0x80, s22, s14, $0xb8;
	[tilespmem:$0x1F880] =	vst v63  }
0xbb: {  	s7 =	rddreg [dreg:$0x1c]  }
0xbc: {  	[tilespmem:s12], [sflag:$0x1] =	stream.indirect.gather [hbm4b:s1+s14], $0x80, s7, s14, $0xb8;
	[tilespmem:$0x1F880] =	vst v63  }
0xbd: {  	s22 =	rddreg [dreg:$0x1d]  }
0xbe: {  	[tilespmem:s15], [sflag:$0x2] =	stream.indirect.gather [hbm4b:s1+s14], $0x80, s22, s14, $0xb8;
	[tilespmem:$0x1F880] =	vst v63  }
0xbf: {  	_ =	swait.ge [sflag:s18], $0x2800  }
0xc0: {  	[sflag:s18] =	ssyncset.done $0x0  }
0xc1: {  	[sflag:s18] =	ssyncadd.s32 $0xFFFFD800  }
0xc2: {  	_ =	swait.ge [sflag:s21], $0x2800  }
0xc3: {  	[sflag:s21] =	ssyncset.done $0x0  }
0xc4: {  	[sflag:s21] =	ssyncadd.s32 $0xFFFFD800  }
0xc5: {  	_ =	swait.ge [sflag:s16], $0x2800  }
0xc6: {  	[sflag:s16] =	ssyncset.done $0x0  }
0xc7: {  	[sflag:s16] =	ssyncadd.s32 $0xFFFFD800  }
0xc8: {  	_ =	swait.ge [sflag:s17], $0x2800  }
0xc9: {  	s10 =	rddreg [dreg:$0x1e];
	[sflag:s17] =	ssyncset.done $0x0  }
0xca: {  	s22 =	rddreg [dreg:$0x1f];
	[sflag:s17] =	ssyncadd.s32 $0xFFFFD800  }
0xcb: {  	[spmem:s3] =	stream.indirect.scatter.add.f32 [tilespmem:s12], [sflag:$0x1], $0x80, s10, s14, $0xb8;
	[tilespmem:$0x1F880] =	vst v63  }
0xcc: {  	s7 =	sld [smem:$0x7F5]  }
0xcd: {  	[spmem:s3] =	stream.indirect.scatter.add.f32 [tilespmem:s15], [sflag:$0x2], $0x80, s22, s14, $0xb8;
	[tilespmem:$0x1F880] =	vst v63  }
0xce: {  	s22 =	sld [smem:$0x7F6]  }
0xcf: {  	[tilespmem:s19], [sflag:$0x3] =	stream.indirect.gather [hbm4b:s1+s14], $0x80, s7, s14, $0xb8;
	[tilespmem:$0x1F880] =	vst v63  }
0xd0: {  	_ = 	snop  }
0xd1: {  	[tilespmem:s20], [sflag:$0x4] =	stream.indirect.gather [hbm4b:s1+s14], $0x80, s22, s14, $0xb8;
	[tilespmem:$0x1F880] =	vst v63  }
0xd2: {  	_ =	swait.ge [sflag:s16], $0x2800  }
0xd3: {  	[sflag:s16] =	ssyncset.done $0x0  }
0xd4: {  	[sflag:s16] =	ssyncadd.s32 $0xFFFFD800  }
0xd5: {  	_ =	swait.ge [sflag:s17], $0x2800  }
0xd6: {  	[sflag:s17] =	ssyncset.done $0x0  }
0xd7: {  	[sflag:s17] =	ssyncadd.s32 $0xFFFFD800  }
0xd8: {  	_ =	swait.ge [sflag:s18], $0x2800  }
0xd9: {  	[sflag:s18] =	ssyncset.done $0x0  }
0xda: {  	[sflag:s18] =	ssyncadd.s32 $0xFFFFD800  }
0xdb: {  	_ =	swait.ge [sflag:s21], $0x2800  }
0xdc: {  	s10 =	sld [smem:$0x7F7]  }
0xdd: {  	[sflag:s21] =	ssyncset.done $0x0  }
0xde: {  	s22 =	sld [smem:$0x7F8];
	[sflag:s21] =	ssyncadd.s32 $0xFFFFD800  }
0xdf: {  	[spmem:s3] =	stream.indirect.scatter.add.f32 [tilespmem:s19], [sflag:$0x3], $0x80, s10, s14, $0xb8;
	[tilespmem:$0x1F880] =	vst v63  }
0xe0: {  	s7 =	sld [smem:$0x7F9]  }
0xe1: {  	[spmem:s3] =	stream.indirect.scatter.add.f32 [tilespmem:s20], [sflag:$0x4], $0x80, s22, s14, $0xb8;
	[tilespmem:$0x1F880] =	vst v63  }
0xe2: {  	s22 =	sld [smem:$0x7FA]  }
0xe3: {  	[tilespmem:s12], [sflag:$0x1] =	stream.indirect.gather [hbm4b:s1+s14], $0x80, s7, s14, $0xb8;
	[tilespmem:$0x1F880] =	vst v63  }
0xe4: {  	_ = 	snop  }
0xe5: {  	[tilespmem:s15], [sflag:$0x2] =	stream.indirect.gather [hbm4b:s1+s14], $0x80, s22, s14, $0xb8;
	[tilespmem:$0x1F880] =	vst v63  }
0xe6: {  	_ =	swait.ge [sflag:s18], $0x2800  }
0xe7: {  	[sflag:s18] =	ssyncset.done $0x0  }
0xe8: {  	[sflag:s18] =	ssyncadd.s32 $0xFFFFD800  }
0xe9: {  	_ =	swait.ge [sflag:s21], $0x2800  }
0xea: {  	[sflag:s21] =	ssyncset.done $0x0  }
0xeb: {  	[sflag:s21] =	ssyncadd.s32 $0xFFFFD800  }
0xec: {  	_ =	swait.ge [sflag:s16], $0x2800  }
0xed: {  	[sflag:s16] =	ssyncset.done $0x0  }
0xee: {  	[sflag:s16] =	ssyncadd.s32 $0xFFFFD800  }
0xef: {  	_ =	swait.ge [sflag:s17], $0x2800  }
0xf0: {  	s22 =	sld [smem:$0x7FB]  }
0xf1: {  	[sflag:s17] =	ssyncset.done $0x0  }
0xf2: {  	s10 =	sld [smem:$0x7FC];
	[sflag:s17] =	ssyncadd.s32 $0xFFFFD800  }
0xf3: {  	[spmem:s3] =	stream.indirect.scatter.add.f32 [tilespmem:s12], [sflag:$0x1], $0x80, s22, s14, $0xb8;
	[tilespmem:$0x1F880] =	vst v63  }
0xf4: {  	s22 =	sld [smem:$0x7FD]  }
0xf5: {  	[spmem:s3] =	stream.indirect.scatter.add.f32 [tilespmem:s15], [sflag:$0x2], $0x80, s10, s14, $0xb8;
	[tilespmem:$0x1F880] =	vst v63  }
0xf6: {  	_ = 	snop  }
0xf7: {  	[tilespmem:s19], [sflag:$0x3] =	stream.indirect.gather [hbm4b:s1+s14], $0x80, s22, s14, $0xb8;
	[tilespmem:$0x1F880] =	vst v63  }
0xf8: {  	_ = 	snop  }
0xf9: {  	[tilespmem:s20], [sflag:$0x4] =	stream.indirect.gather [hbm4b:s1+s14], $0x80, s11, s14, $0xb8;
	[tilespmem:$0x1F880] =	vst v63  }
0xfa: {  	_ =	swait.ge [sflag:s16], $0x2800  }
0xfb: {  	[sflag:s16] =	ssyncset.done $0x0  }
0xfc: {  	[sflag:s16] =	ssyncadd.s32 $0xFFFFD800  }
0xfd: {  	_ =	swait.ge [sflag:s17], $0x2800  }
0xfe: {  	[sflag:s17] =	ssyncset.done $0x0  }
0xff: {  	[sflag:s17] =	ssyncadd.s32 $0xFFFFD800  }
0x100: {  	_ =	swait.ge [sflag:s18], $0x2800  }
0x101: {  	[sflag:s18] =	ssyncset.done $0x0  }
0x102: {  	[sflag:s18] =	ssyncadd.s32 $0xFFFFD800  }
0x103: {  	_ =	swait.ge [sflag:s21], $0x2800  }
0x104: {  	[sflag:s21] =	ssyncset.done $0x0  }
0x105: {  	[sflag:s21] =	ssyncadd.s32 $0xFFFFD800  }
0x106: {  	[spmem:s3] =	stream.indirect.scatter.add.f32 [tilespmem:s19], [sflag:$0x3], $0x80, s23, s14, $0xb8;
	[tilespmem:$0x1F880] =	vst v63  }
0x107: {  	_ = 	snop  }
0x108: {  	[spmem:s3] =	stream.indirect.scatter.add.f32 [tilespmem:s20], [sflag:$0x4], $0x80, s24, s14, $0xb8;
	[tilespmem:$0x1F880] =	vst v63  }
0x109: {  	_ = 	snop  }
0x10a: {  	[tilespmem:s12], [sflag:$0x1] =	stream.indirect.gather [hbm4b:s1+s14], $0x80, s25, s14, $0xb8;
	[tilespmem:$0x1F880] =	vst v63  }
0x10b: {  	_ = 	snop  }
0x10c: {  	[tilespmem:s15], [sflag:$0x2] =	stream.indirect.gather [hbm4b:s1+s14], $0x80, s26, s14, $0xb8;
	[tilespmem:$0x1F880] =	vst v63  }
0x10d: {  	_ =	swait.ge [sflag:s18], $0x2800  }
0x10e: {  	[sflag:s18] =	ssyncset.done $0x0  }
0x10f: {  	[sflag:s18] =	ssyncadd.s32 $0xFFFFD800  }
0x110: {  	_ =	swait.ge [sflag:s21], $0x2800  }
0x111: {  	[sflag:s21] =	ssyncset.done $0x0  }
0x112: {  	[sflag:s21] =	ssyncadd.s32 $0xFFFFD800  }
0x113: {  	_ =	swait.ge [sflag:s16], $0x2800  }
0x114: {  	[sflag:s16] =	ssyncset.done $0x0  }
0x115: {  	[sflag:s16] =	ssyncadd.s32 $0xFFFFD800  }
0x116: {  	_ =	swait.ge [sflag:s17], $0x2800  }
0x117: {  	[sflag:s17] =	ssyncset.done $0x0  }
0x118: {  	[sflag:s17] =	ssyncadd.s32 $0xFFFFD800  }
0x119: {  	[spmem:s3] =	stream.indirect.scatter.add.f32 [tilespmem:s12], [sflag:$0x1], $0x80, s28, s14, $0xb8;
	[tilespmem:$0x1F880] =	vst v63  }
0x11a: {  	_ = 	snop  }
0x11b: {  	[spmem:s3] =	stream.indirect.scatter.add.f32 [tilespmem:s15], [sflag:$0x2], $0x80, s29, s14, $0xb8;
	[tilespmem:$0x1F880] =	vst v63  }
0x11c: {  	_ = 	snop  }
0x11d: {  	[tilespmem:s19], [sflag:$0x3] =	stream.indirect.gather [hbm4b:s1+s14], $0x80, s30, s14, $0xb8;
	[tilespmem:$0x1F880] =	vst v63  }
0x11e: {  	_ = 	snop  }
0x11f: {  	[tilespmem:s20], [sflag:$0x4] =	stream.indirect.gather [hbm4b:s1+s14], $0x80, s31, s14, $0xb8;
	[tilespmem:$0x1F880] =	vst v63  }
0x120: {  	_ =	swait.ge [sflag:s16], $0x2800  }
0x121: {  	[sflag:s16] =	ssyncset.done $0x0  }
0x122: {  	[sflag:s16] =	ssyncadd.s32 $0xFFFFD800  }
0x123: {  	_ =	swait.ge [sflag:s17], $0x2800  }
0x124: {  	[sflag:s17] =	ssyncset.done $0x0  }
0x125: {  	[sflag:s17] =	ssyncadd.s32 $0xFFFFD800  }
0x126: {  	_ =	swait.ge [sflag:s18], $0x2800  }
0x127: {  	[sflag:s18] =	ssyncset.done $0x0  }
0x128: {  	[sflag:s18] =	ssyncadd.s32 $0xFFFFD800  }
0x129: {  	_ =	swait.ge [sflag:s21], $0x2800  }
0x12a: {  	[sflag:s21] =	ssyncset.done $0x0  }
0x12b: {  	[sflag:s21] =	ssyncadd.s32 $0xFFFFD800  }
0x12c: {  	[spmem:s3] =	stream.indirect.scatter.add.f32 [tilespmem:s19], [sflag:$0x3], $0x80, s2, s14, $0xb8;
	[tilespmem:$0x1F880] =	vst v63  }
0x12d: {  	_ = 	snop  }
0x12e: {  	[spmem:s3] =	stream.indirect.scatter.add.f32 [tilespmem:s20], [sflag:$0x4], $0x80, s0, s14, $0xb8;
	[tilespmem:$0x1F880] =	vst v63  }
0x12f: {  	_ = 	snop  }
0x130: {  	[tilespmem:s12], [sflag:$0x1] =	stream.indirect.gather [hbm4b:s1+s14], $0x80, s5, s14, $0xb8;
	[tilespmem:$0x1F880] =	vst v63  }
0x131: {  	_ =	swait.ge [sflag:s18], $0x2800  }
0x132: {  	[sflag:s18] =	ssyncset.done $0x0  }
0x133: {  	[sflag:s18] =	ssyncadd.s32 $0xFFFFD800  }
0x134: {  	_ =	swait.ge [sflag:s21], $0x2800  }
0x135: {  	[sflag:s21] =	ssyncset.done $0x0  }
0x136: {  	[sflag:s21] =	ssyncadd.s32 $0xFFFFD800  }
0x137: {  	_ =	swait.ge [sflag:s16], $0x2800  }
0x138: {  	[sflag:s16] =	ssyncset.done $0x0  }
0x139: {  	[sflag:s16] =	ssyncadd.s32 $0xFFFFD800  }
0x13a: {  	[spmem:s3] =	stream.indirect.scatter.add.f32 [tilespmem:s12], [sflag:$0x5], $0x80, s9, s14, $0xb8;
	[tilespmem:$0x1F880] =	vst v63  }
0x13b: {  	s7 =	simm.s32 $0x200;
	_ =	swait.ge [sflag:s6], $0x2800  }
0x13c: {  	s10 =	simm.s32 $0x400;
	s11 =	rddreg [dreg:$0x4];
	[sflag:s6] =	ssyncset.done $0x0  }
.LBB2_4:
0x13d: {  	[sflag:s6] =	ssyncadd.s32 $0xFFFFD800;
	s11 =	sadd.s32 s7, s11  }
0x13e: {  	[tilespmem:s4], [sflag:$0x5] =	stream.linear.gather [hbm4b:s11+s4], $0xC80, $0x38;
	[tilespmem:$0x1F880] =	vst v63  }
0x13f: {  	_ =	swait.ge [sflag:s6], $0xC80  }
0x140: {  	s11 =	rddreg [dreg:$0x5];
	[sflag:s6] =	ssyncset.done $0x0  }
0x141: {  	[sflag:s6] =	ssyncadd.s32 $0xFFFFF380;
	s11 =	sadd.s32 s7, s11  }
0x142: {  	[tilespmem:s13], [sflag:$0x3] =	stream.linear.gather [hbm4b:s11+s4], $0xC80, $0x38;
	[tilespmem:$0x1F880] =	vst v63  }
0x143: {  	s22 =	smov.u32 s10  }
0x144: {  	[tilespmem:s12], [sflag:$0x1] =	stream.indirect.gather [hbm4b:s1+s14], $0x80, s4, s14, $0xb8;
	[tilespmem:$0x1F880] =	vst v63  }
0x145: {  	s7 =	smov.u32 s22;
	s22 =	rddreg [dreg:$0x6]  }
0x146: {  	[tilespmem:s15], [sflag:$0x2] =	stream.indirect.gather [hbm4b:s1+s14], $0x80, s22, s14, $0xb8;
	[tilespmem:$0x1F880] =	vst v63  }
0x147: {  	_ =	swait.ge [sflag:s16], $0x2800  }
0x148: {  	[sflag:s16] =	ssyncset.done $0x0  }
0x149: {  	[sflag:s16] =	ssyncadd.s32 $0xFFFFD800  }
0x14a: {  	_ =	swait.ge [sflag:s17], $0x2800  }
0x14b: {  	[sflag:s17] =	ssyncset.done $0x0  }
0x14c: {  	[sflag:s17] =	ssyncadd.s32 $0xFFFFD800  }
0x14d: {  	_ =	swait.ge [sflag:s18], $0xC80  }
0x14e: {  	[sflag:s18] =	ssyncset.done $0x0  }
0x14f: {  	[sflag:s18] =	ssyncadd.s32 $0xFFFFF380  }
0x150: {  	[spmem:s3] =	stream.indirect.scatter.add.f32 [tilespmem:s12], [sflag:$0x1], $0x80, s13, s14, $0xb8;
	[tilespmem:$0x1F880] =	vst v63  }
0x151: {  	s11 =	rddreg [dreg:$0x7]  }
0x152: {  	[spmem:s3] =	stream.indirect.scatter.add.f32 [tilespmem:s15], [sflag:$0x2], $0x80, s11, s14, $0xb8;
	[tilespmem:$0x1F880] =	vst v63  }
0x153: {  	s22 =	rddreg [dreg:$0x8]  }
0x154: {  	[tilespmem:s19], [sflag:$0x3] =	stream.indirect.gather [hbm4b:s1+s14], $0x80, s22, s14, $0xb8;
	[tilespmem:$0x1F880] =	vst v63  }
0x155: {  	s11 =	rddreg [dreg:$0x9]  }
0x156: {  	[tilespmem:s20], [sflag:$0x4] =	stream.indirect.gather [hbm4b:s1+s14], $0x80, s11, s14, $0xb8;
	[tilespmem:$0x1F880] =	vst v63  }
0x157: {  	_ =	swait.ge [sflag:s16], $0x2800  }
0x158: {  	[sflag:s16] =	ssyncset.done $0x0  }
0x159: {  	[sflag:s16] =	ssyncadd.s32 $0xFFFFD800  }
0x15a: {  	_ =	swait.ge [sflag:s17], $0x2800  }
0x15b: {  	[sflag:s17] =	ssyncset.done $0x0  }
0x15c: {  	[sflag:s17] =	ssyncadd.s32 $0xFFFFD800  }
0x15d: {  	_ =	swait.ge [sflag:s18], $0x2800  }
0x15e: {  	[sflag:s18] =	ssyncset.done $0x0  }
0x15f: {  	[sflag:s18] =	ssyncadd.s32 $0xFFFFD800  }
0x160: {  	_ =	swait.ge [sflag:s21], $0x2800  }
0x161: {  	[sflag:s21] =	ssyncset.done $0x0  }
0x162: {  	s11 =	rddreg [dreg:$0xa];
	[sflag:s21] =	ssyncadd.s32 $0xFFFFD800  }
0x163: {  	[spmem:s3] =	stream.indirect.scatter.add.f32 [tilespmem:s19], [sflag:$0x3], $0x80, s11, s14, $0xb8;
	[tilespmem:$0x1F880] =	vst v63  }
0x164: {  	s22 =	rddreg [dreg:$0xb]  }
0x165: {  	[spmem:s3] =	stream.indirect.scatter.add.f32 [tilespmem:s20], [sflag:$0x4], $0x80, s22, s14, $0xb8;
	[tilespmem:$0x1F880] =	vst v63  }
0x166: {  	s11 =	rddreg [dreg:$0xc]  }
0x167: {  	[tilespmem:s12], [sflag:$0x1] =	stream.indirect.gather [hbm4b:s1+s14], $0x80, s11, s14, $0xb8;
	[tilespmem:$0x1F880] =	vst v63  }
0x168: {  	s22 =	rddreg [dreg:$0xd]  }
0x169: {  	[tilespmem:s15], [sflag:$0x2] =	stream.indirect.gather [hbm4b:s1+s14], $0x80, s22, s14, $0xb8;
	[tilespmem:$0x1F880] =	vst v63  }
0x16a: {  	_ =	swait.ge [sflag:s18], $0x2800  }
0x16b: {  	[sflag:s18] =	ssyncset.done $0x0  }
0x16c: {  	[sflag:s18] =	ssyncadd.s32 $0xFFFFD800  }
0x16d: {  	_ =	swait.ge [sflag:s21], $0x2800  }
0x16e: {  	[sflag:s21] =	ssyncset.done $0x0  }
0x16f: {  	[sflag:s21] =	ssyncadd.s32 $0xFFFFD800  }
0x170: {  	_ =	swait.ge [sflag:s16], $0x2800  }
0x171: {  	[sflag:s16] =	ssyncset.done $0x0  }
0x172: {  	[sflag:s16] =	ssyncadd.s32 $0xFFFFD800  }
0x173: {  	_ =	swait.ge [sflag:s17], $0x2800  }
0x174: {  	[sflag:s17] =	ssyncset.done $0x0  }
0x175: {  	s11 =	rddreg [dreg:$0xe];
	[sflag:s17] =	ssyncadd.s32 $0xFFFFD800  }
0x176: {  	[spmem:s3] =	stream.indirect.scatter.add.f32 [tilespmem:s12], [sflag:$0x1], $0x80, s11, s14, $0xb8;
	[tilespmem:$0x1F880] =	vst v63  }
0x177: {  	s22 =	rddreg [dreg:$0xf]  }
0x178: {  	[spmem:s3] =	stream.indirect.scatter.add.f32 [tilespmem:s15], [sflag:$0x2], $0x80, s22, s14, $0xb8;
	[tilespmem:$0x1F880] =	vst v63  }
0x179: {  	s11 =	rddreg [dreg:$0x10]  }
0x17a: {  	[tilespmem:s19], [sflag:$0x3] =	stream.indirect.gather [hbm4b:s1+s14], $0x80, s11, s14, $0xb8;
	[tilespmem:$0x1F880] =	vst v63  }
0x17b: {  	s22 =	rddreg [dreg:$0x11]  }
0x17c: {  	[tilespmem:s20], [sflag:$0x4] =	stream.indirect.gather [hbm4b:s1+s14], $0x80, s22, s14, $0xb8;
	[tilespmem:$0x1F880] =	vst v63  }
0x17d: {  	_ =	swait.ge [sflag:s16], $0x2800  }
0x17e: {  	[sflag:s16] =	ssyncset.done $0x0  }
0x17f: {  	[sflag:s16] =	ssyncadd.s32 $0xFFFFD800  }
0x180: {  	_ =	swait.ge [sflag:s17], $0x2800  }
0x181: {  	[sflag:s17] =	ssyncset.done $0x0  }
0x182: {  	[sflag:s17] =	ssyncadd.s32 $0xFFFFD800  }
0x183: {  	_ =	swait.ge [sflag:s18], $0x2800  }
0x184: {  	[sflag:s18] =	ssyncset.done $0x0  }
0x185: {  	[sflag:s18] =	ssyncadd.s32 $0xFFFFD800  }
0x186: {  	_ =	swait.ge [sflag:s21], $0x2800  }
0x187: {  	[sflag:s21] =	ssyncset.done $0x0  }
0x188: {  	s11 =	rddreg [dreg:$0x12];
	[sflag:s21] =	ssyncadd.s32 $0xFFFFD800  }
0x189: {  	[spmem:s3] =	stream.indirect.scatter.add.f32 [tilespmem:s19], [sflag:$0x3], $0x80, s11, s14, $0xb8;
	[tilespmem:$0x1F880] =	vst v63  }
0x18a: {  	s22 =	rddreg [dreg:$0x13]  }
0x18b: {  	[spmem:s3] =	stream.indirect.scatter.add.f32 [tilespmem:s20], [sflag:$0x4], $0x80, s22, s14, $0xb8;
	[tilespmem:$0x1F880] =	vst v63  }
0x18c: {  	s11 =	rddreg [dreg:$0x14]  }
0x18d: {  	[tilespmem:s12], [sflag:$0x1] =	stream.indirect.gather [hbm4b:s1+s14], $0x80, s11, s14, $0xb8;
	[tilespmem:$0x1F880] =	vst v63  }
0x18e: {  	s22 =	rddreg [dreg:$0x15]  }
0x18f: {  	[tilespmem:s15], [sflag:$0x2] =	stream.indirect.gather [hbm4b:s1+s14], $0x80, s22, s14, $0xb8;
	[tilespmem:$0x1F880] =	vst v63  }
0x190: {  	_ =	swait.ge [sflag:s18], $0x2800  }
0x191: {  	[sflag:s18] =	ssyncset.done $0x0  }
0x192: {  	[sflag:s18] =	ssyncadd.s32 $0xFFFFD800  }
0x193: {  	_ =	swait.ge [sflag:s21], $0x2800  }
0x194: {  	[sflag:s21] =	ssyncset.done $0x0  }
0x195: {  	[sflag:s21] =	ssyncadd.s32 $0xFFFFD800  }
0x196: {  	_ =	swait.ge [sflag:s16], $0x2800  }
0x197: {  	[sflag:s16] =	ssyncset.done $0x0  }
0x198: {  	[sflag:s16] =	ssyncadd.s32 $0xFFFFD800  }
0x199: {  	_ =	swait.ge [sflag:s17], $0x2800  }
0x19a: {  	[sflag:s17] =	ssyncset.done $0x0  }
0x19b: {  	s11 =	rddreg [dreg:$0x16];
	[sflag:s17] =	ssyncadd.s32 $0xFFFFD800  }
0x19c: {  	[spmem:s3] =	stream.indirect.scatter.add.f32 [tilespmem:s12], [sflag:$0x1], $0x80, s11, s14, $0xb8;
	[tilespmem:$0x1F880] =	vst v63  }
0x19d: {  	s22 =	rddreg [dreg:$0x17]  }
0x19e: {  	[spmem:s3] =	stream.indirect.scatter.add.f32 [tilespmem:s15], [sflag:$0x2], $0x80, s22, s14, $0xb8;
	[tilespmem:$0x1F880] =	vst v63  }
0x19f: {  	s11 =	rddreg [dreg:$0x18]  }
0x1a0: {  	[tilespmem:s19], [sflag:$0x3] =	stream.indirect.gather [hbm4b:s1+s14], $0x80, s11, s14, $0xb8;
	[tilespmem:$0x1F880] =	vst v63  }
0x1a1: {  	s22 =	rddreg [dreg:$0x19]  }
0x1a2: {  	[tilespmem:s20], [sflag:$0x4] =	stream.indirect.gather [hbm4b:s1+s14], $0x80, s22, s14, $0xb8;
	[tilespmem:$0x1F880] =	vst v63  }
0x1a3: {  	_ =	swait.ge [sflag:s16], $0x2800  }
0x1a4: {  	[sflag:s16] =	ssyncset.done $0x0  }
0x1a5: {  	[sflag:s16] =	ssyncadd.s32 $0xFFFFD800  }
0x1a6: {  	_ =	swait.ge [sflag:s17], $0x2800  }
0x1a7: {  	[sflag:s17] =	ssyncset.done $0x0  }
0x1a8: {  	[sflag:s17] =	ssyncadd.s32 $0xFFFFD800  }
0x1a9: {  	_ =	swait.ge [sflag:s18], $0x2800  }
0x1aa: {  	[sflag:s18] =	ssyncset.done $0x0  }
0x1ab: {  	[sflag:s18] =	ssyncadd.s32 $0xFFFFD800  }
0x1ac: {  	_ =	swait.ge [sflag:s21], $0x2800  }
0x1ad: {  	[sflag:s21] =	ssyncset.done $0x0  }
0x1ae: {  	s11 =	rddreg [dreg:$0x1a];
	[sflag:s21] =	ssyncadd.s32 $0xFFFFD800  }
0x1af: {  	[spmem:s3] =	stream.indirect.scatter.add.f32 [tilespmem:s19], [sflag:$0x3], $0x80, s11, s14, $0xb8;
	[tilespmem:$0x1F880] =	vst v63  }
0x1b0: {  	s22 =	rddreg [dreg:$0x1b]  }
0x1b1: {  	[spmem:s3] =	stream.indirect.scatter.add.f32 [tilespmem:s20], [sflag:$0x4], $0x80, s22, s14, $0xb8;
	[tilespmem:$0x1F880] =	vst v63  }
0x1b2: {  	s11 =	rddreg [dreg:$0x1c]  }
0x1b3: {  	[tilespmem:s12], [sflag:$0x1] =	stream.indirect.gather [hbm4b:s1+s14], $0x80, s11, s14, $0xb8;
	[tilespmem:$0x1F880] =	vst v63  }
0x1b4: {  	s22 =	rddreg [dreg:$0x1d]  }
0x1b5: {  	[tilespmem:s15], [sflag:$0x2] =	stream.indirect.gather [hbm4b:s1+s14], $0x80, s22, s14, $0xb8;
	[tilespmem:$0x1F880] =	vst v63  }
0x1b6: {  	_ =	swait.ge [sflag:s18], $0x2800  }
0x1b7: {  	[sflag:s18] =	ssyncset.done $0x0  }
0x1b8: {  	[sflag:s18] =	ssyncadd.s32 $0xFFFFD800  }
0x1b9: {  	_ =	swait.ge [sflag:s21], $0x2800  }
0x1ba: {  	[sflag:s21] =	ssyncset.done $0x0  }
0x1bb: {  	[sflag:s21] =	ssyncadd.s32 $0xFFFFD800  }
0x1bc: {  	_ =	swait.ge [sflag:s16], $0x2800  }
0x1bd: {  	[sflag:s16] =	ssyncset.done $0x0  }
0x1be: {  	[sflag:s16] =	ssyncadd.s32 $0xFFFFD800  }
0x1bf: {  	_ =	swait.ge [sflag:s17], $0x2800  }
0x1c0: {  	s11 =	rddreg [dreg:$0x1e];
	[sflag:s17] =	ssyncset.done $0x0  }
0x1c1: {  	s22 =	rddreg [dreg:$0x1f];
	[sflag:s17] =	ssyncadd.s32 $0xFFFFD800  }
0x1c2: {  	[spmem:s3] =	stream.indirect.scatter.add.f32 [tilespmem:s12], [sflag:$0x1], $0x80, s11, s14, $0xb8;
	[tilespmem:$0x1F880] =	vst v63  }
0x1c3: {  	s11 =	sld [smem:$0x7F5]  }
0x1c4: {  	[spmem:s3] =	stream.indirect.scatter.add.f32 [tilespmem:s15], [sflag:$0x2], $0x80, s22, s14, $0xb8;
	[tilespmem:$0x1F880] =	vst v63  }
0x1c5: {  	s22 =	sld [smem:$0x7F6]  }
0x1c6: {  	[tilespmem:s19], [sflag:$0x3] =	stream.indirect.gather [hbm4b:s1+s14], $0x80, s11, s14, $0xb8;
	[tilespmem:$0x1F880] =	vst v63  }
0x1c7: {  	_ = 	snop  }
0x1c8: {  	[tilespmem:s20], [sflag:$0x4] =	stream.indirect.gather [hbm4b:s1+s14], $0x80, s22, s14, $0xb8;
	[tilespmem:$0x1F880] =	vst v63  }
0x1c9: {  	_ =	swait.ge [sflag:s16], $0x2800  }
0x1ca: {  	[sflag:s16] =	ssyncset.done $0x0  }
0x1cb: {  	[sflag:s16] =	ssyncadd.s32 $0xFFFFD800  }
0x1cc: {  	_ =	swait.ge [sflag:s17], $0x2800  }
0x1cd: {  	[sflag:s17] =	ssyncset.done $0x0  }
0x1ce: {  	[sflag:s17] =	ssyncadd.s32 $0xFFFFD800  }
0x1cf: {  	_ =	swait.ge [sflag:s18], $0x2800  }
0x1d0: {  	[sflag:s18] =	ssyncset.done $0x0  }
0x1d1: {  	[sflag:s18] =	ssyncadd.s32 $0xFFFFD800  }
0x1d2: {  	_ =	swait.ge [sflag:s21], $0x2800  }
0x1d3: {  	s11 =	sld [smem:$0x7F7]  }
0x1d4: {  	[sflag:s21] =	ssyncset.done $0x0  }
0x1d5: {  	s22 =	sld [smem:$0x7F8];
	[sflag:s21] =	ssyncadd.s32 $0xFFFFD800  }
0x1d6: {  	[spmem:s3] =	stream.indirect.scatter.add.f32 [tilespmem:s19], [sflag:$0x3], $0x80, s11, s14, $0xb8;
	[tilespmem:$0x1F880] =	vst v63  }
0x1d7: {  	s11 =	sld [smem:$0x7F9]  }
0x1d8: {  	[spmem:s3] =	stream.indirect.scatter.add.f32 [tilespmem:s20], [sflag:$0x4], $0x80, s22, s14, $0xb8;
	[tilespmem:$0x1F880] =	vst v63  }
0x1d9: {  	s22 =	sld [smem:$0x7FA]  }
0x1da: {  	[tilespmem:s12], [sflag:$0x1] =	stream.indirect.gather [hbm4b:s1+s14], $0x80, s11, s14, $0xb8;
	[tilespmem:$0x1F880] =	vst v63  }
0x1db: {  	_ = 	snop  }
0x1dc: {  	[tilespmem:s15], [sflag:$0x2] =	stream.indirect.gather [hbm4b:s1+s14], $0x80, s22, s14, $0xb8;
	[tilespmem:$0x1F880] =	vst v63  }
0x1dd: {  	_ =	swait.ge [sflag:s18], $0x2800  }
0x1de: {  	[sflag:s18] =	ssyncset.done $0x0  }
0x1df: {  	[sflag:s18] =	ssyncadd.s32 $0xFFFFD800  }
0x1e0: {  	_ =	swait.ge [sflag:s21], $0x2800  }
0x1e1: {  	[sflag:s21] =	ssyncset.done $0x0  }
0x1e2: {  	[sflag:s21] =	ssyncadd.s32 $0xFFFFD800  }
0x1e3: {  	_ =	swait.ge [sflag:s16], $0x2800  }
0x1e4: {  	[sflag:s16] =	ssyncset.done $0x0  }
0x1e5: {  	[sflag:s16] =	ssyncadd.s32 $0xFFFFD800  }
0x1e6: {  	_ =	swait.ge [sflag:s17], $0x2800  }
0x1e7: {  	s11 =	sld [smem:$0x7FB]  }
0x1e8: {  	[sflag:s17] =	ssyncset.done $0x0  }
0x1e9: {  	s22 =	sld [smem:$0x7FC];
	[sflag:s17] =	ssyncadd.s32 $0xFFFFD800  }
0x1ea: {  	[spmem:s3] =	stream.indirect.scatter.add.f32 [tilespmem:s12], [sflag:$0x1], $0x80, s11, s14, $0xb8;
	[tilespmem:$0x1F880] =	vst v63  }
0x1eb: {  	s11 =	sld [smem:$0x7FD]  }
0x1ec: {  	[spmem:s3] =	stream.indirect.scatter.add.f32 [tilespmem:s15], [sflag:$0x2], $0x80, s22, s14, $0xb8;
	[tilespmem:$0x1F880] =	vst v63  }
0x1ed: {  	_ = 	snop  }
0x1ee: {  	[tilespmem:s19], [sflag:$0x3] =	stream.indirect.gather [hbm4b:s1+s14], $0x80, s11, s14, $0xb8;
	[tilespmem:$0x1F880] =	vst v63  }
0x1ef: {  	s22 =	simm.s32 $0x980  }
0x1f0: {  	[tilespmem:s20], [sflag:$0x4] =	stream.indirect.gather [hbm4b:s1+s14], $0x80, s22, s14, $0xb8;
	[tilespmem:$0x1F880] =	vst v63  }
0x1f1: {  	_ =	swait.ge [sflag:s16], $0x2800  }
0x1f2: {  	[sflag:s16] =	ssyncset.done $0x0  }
0x1f3: {  	[sflag:s16] =	ssyncadd.s32 $0xFFFFD800  }
0x1f4: {  	_ =	swait.ge [sflag:s17], $0x2800  }
0x1f5: {  	[sflag:s17] =	ssyncset.done $0x0  }
0x1f6: {  	[sflag:s17] =	ssyncadd.s32 $0xFFFFD800  }
0x1f7: {  	_ =	swait.ge [sflag:s18], $0x2800  }
0x1f8: {  	[sflag:s18] =	ssyncset.done $0x0  }
0x1f9: {  	[sflag:s18] =	ssyncadd.s32 $0xFFFFD800  }
0x1fa: {  	_ =	swait.ge [sflag:s21], $0x2800  }
0x1fb: {  	[sflag:s21] =	ssyncset.done $0x0  }
0x1fc: {  	[sflag:s21] =	ssyncadd.s32 $0xFFFFD800  }
0x1fd: {  	[spmem:s3] =	stream.indirect.scatter.add.f32 [tilespmem:s19], [sflag:$0x3], $0x80, s23, s14, $0xb8;
	[tilespmem:$0x1F880] =	vst v63  }
0x1fe: {  	_ = 	snop  }
0x1ff: {  	[spmem:s3] =	stream.indirect.scatter.add.f32 [tilespmem:s20], [sflag:$0x4], $0x80, s24, s14, $0xb8;
	[tilespmem:$0x1F880] =	vst v63  }
0x200: {  	_ = 	snop  }
0x201: {  	[tilespmem:s12], [sflag:$0x1] =	stream.indirect.gather [hbm4b:s1+s14], $0x80, s25, s14, $0xb8;
	[tilespmem:$0x1F880] =	vst v63  }
0x202: {  	_ = 	snop  }
0x203: {  	[tilespmem:s15], [sflag:$0x2] =	stream.indirect.gather [hbm4b:s1+s14], $0x80, s26, s14, $0xb8;
	[tilespmem:$0x1F880] =	vst v63  }
0x204: {  	_ =	swait.ge [sflag:s18], $0x2800  }
0x205: {  	[sflag:s18] =	ssyncset.done $0x0  }
0x206: {  	[sflag:s18] =	ssyncadd.s32 $0xFFFFD800  }
0x207: {  	_ =	swait.ge [sflag:s21], $0x2800  }
0x208: {  	[sflag:s21] =	ssyncset.done $0x0  }
0x209: {  	[sflag:s21] =	ssyncadd.s32 $0xFFFFD800  }
0x20a: {  	_ =	swait.ge [sflag:s16], $0x2800  }
0x20b: {  	[sflag:s16] =	ssyncset.done $0x0  }
0x20c: {  	[sflag:s16] =	ssyncadd.s32 $0xFFFFD800  }
0x20d: {  	_ =	swait.ge [sflag:s17], $0x2800  }
0x20e: {  	[sflag:s17] =	ssyncset.done $0x0  }
0x20f: {  	[sflag:s17] =	ssyncadd.s32 $0xFFFFD800  }
0x210: {  	[spmem:s3] =	stream.indirect.scatter.add.f32 [tilespmem:s12], [sflag:$0x1], $0x80, s28, s14, $0xb8;
	[tilespmem:$0x1F880] =	vst v63  }
0x211: {  	_ = 	snop  }
0x212: {  	[spmem:s3] =	stream.indirect.scatter.add.f32 [tilespmem:s15], [sflag:$0x2], $0x80, s29, s14, $0xb8;
	[tilespmem:$0x1F880] =	vst v63  }
0x213: {  	_ = 	snop  }
0x214: {  	[tilespmem:s19], [sflag:$0x3] =	stream.indirect.gather [hbm4b:s1+s14], $0x80, s30, s14, $0xb8;
	[tilespmem:$0x1F880] =	vst v63  }
0x215: {  	_ = 	snop  }
0x216: {  	[tilespmem:s20], [sflag:$0x4] =	stream.indirect.gather [hbm4b:s1+s14], $0x80, s31, s14, $0xb8;
	[tilespmem:$0x1F880] =	vst v63  }
0x217: {  	_ =	swait.ge [sflag:s16], $0x2800  }
0x218: {  	[sflag:s16] =	ssyncset.done $0x0  }
0x219: {  	[sflag:s16] =	ssyncadd.s32 $0xFFFFD800  }
0x21a: {  	_ =	swait.ge [sflag:s17], $0x2800  }
0x21b: {  	[sflag:s17] =	ssyncset.done $0x0  }
0x21c: {  	[sflag:s17] =	ssyncadd.s32 $0xFFFFD800  }
0x21d: {  	_ =	swait.ge [sflag:s18], $0x2800  }
0x21e: {  	[sflag:s18] =	ssyncset.done $0x0  }
0x21f: {  	[sflag:s18] =	ssyncadd.s32 $0xFFFFD800  }
0x220: {  	_ =	swait.ge [sflag:s21], $0x2800  }
0x221: {  	[sflag:s21] =	ssyncset.done $0x0  }
0x222: {  	[sflag:s21] =	ssyncadd.s32 $0xFFFFD800  }
0x223: {  	[spmem:s3] =	stream.indirect.scatter.add.f32 [tilespmem:s19], [sflag:$0x3], $0x80, s2, s14, $0xb8;
	[tilespmem:$0x1F880] =	vst v63  }
0x224: {  	_ = 	snop  }
0x225: {  	[spmem:s3] =	stream.indirect.scatter.add.f32 [tilespmem:s20], [sflag:$0x4], $0x80, s0, s14, $0xb8;
	[tilespmem:$0x1F880] =	vst v63  }
0x226: {  	_ = 	snop  }
0x227: {  	[tilespmem:s12], [sflag:$0x1] =	stream.indirect.gather [hbm4b:s1+s14], $0x80, s5, s14, $0xb8;
	[tilespmem:$0x1F880] =	vst v63  }
0x228: {  	_ =	swait.ge [sflag:s18], $0x2800  }
0x229: {  	[sflag:s18] =	ssyncset.done $0x0  }
0x22a: {  	[sflag:s18] =	ssyncadd.s32 $0xFFFFD800  }
0x22b: {  	_ =	swait.ge [sflag:s21], $0x2800  }
0x22c: {  	[sflag:s21] =	ssyncset.done $0x0  }
0x22d: {  	[sflag:s21] =	ssyncadd.s32 $0xFFFFD800  }
0x22e: {  	p1 =	sne.s32 s10, $0x800;
	_ =	swait.ge [sflag:s16], $0x2800  }
.Ltmp2:
0x22f: {  	[sflag:s16] =	ssyncset.done $0x0;
	(pc) =	sbr.rel @p1 .LBB2_4-.Ltmp2, $4  }
0x230: {  	[sflag:s16] =	ssyncadd.s32 $0xFFFFD800  }
0x231: {  	[spmem:s3] =	stream.indirect.scatter.add.f32 [tilespmem:s12], [sflag:$0x5], $0x80, s9, s14, $0xb8;
	[tilespmem:$0x1F880] =	vst v63  }
0x232: {  	_ =	swait.ge [sflag:s6], $0x2800  }
0x233: {  	s10 =	sadd.s32 $0x200, s10;
	s11 =	rddreg [dreg:$0x4];
	[sflag:s6] =	ssyncset.done $0x0  }
0x234: {  	[sflag:s6] =	ssyncadd.s32 $0xFFFFD800;
	s10 =	sadd.s32 s7, s11  }
0x235: {  	[tilespmem:s4], [sflag:$0x5] =	stream.linear.gather [hbm4b:s10+s4], $0xC80, $0x38;
	[tilespmem:$0x1F880] =	vst v63  }
0x236: {  	_ =	swait.ge [sflag:s6], $0xC80  }
0x237: {  	s11 =	rddreg [dreg:$0x5];
	[sflag:s6] =	ssyncset.done $0x0  }
0x238: {  	[sflag:s6] =	ssyncadd.s32 $0xFFFFF380;
	s11 =	sadd.s32 s7, s11  }
0x239: {  	[tilespmem:s13], [sflag:$0x3] =	stream.linear.gather [hbm4b:s11+s4], $0xC80, $0x38;
	[tilespmem:$0x1F880] =	vst v63  }
0x23a: {  	_ = 	snop  }
0x23b: {  	[tilespmem:s12], [sflag:$0x1] =	stream.indirect.gather [hbm4b:s1+s14], $0x80, s4, s14, $0xb8;
	[tilespmem:$0x1F880] =	vst v63  }
0x23c: {  	s10 =	rddreg [dreg:$0x6]  }
0x23d: {  	[tilespmem:s15], [sflag:$0x2] =	stream.indirect.gather [hbm4b:s1+s14], $0x80, s10, s14, $0xb8;
	[tilespmem:$0x1F880] =	vst v63  }
0x23e: {  	_ =	swait.ge [sflag:s16], $0x2800  }
0x23f: {  	[sflag:s16] =	ssyncset.done $0x0  }
0x240: {  	[sflag:s16] =	ssyncadd.s32 $0xFFFFD800  }
0x241: {  	_ =	swait.ge [sflag:s17], $0x2800  }
0x242: {  	[sflag:s17] =	ssyncset.done $0x0  }
0x243: {  	[sflag:s17] =	ssyncadd.s32 $0xFFFFD800  }
0x244: {  	_ =	swait.ge [sflag:s18], $0xC80  }
0x245: {  	[sflag:s18] =	ssyncset.done $0x0  }
0x246: {  	[sflag:s18] =	ssyncadd.s32 $0xFFFFF380  }
0x247: {  	[spmem:s3] =	stream.indirect.scatter.add.f32 [tilespmem:s12], [sflag:$0x1], $0x80, s13, s14, $0xb8;
	[tilespmem:$0x1F880] =	vst v63  }
0x248: {  	s11 =	rddreg [dreg:$0x7]  }
0x249: {  	[spmem:s3] =	stream.indirect.scatter.add.f32 [tilespmem:s15], [sflag:$0x2], $0x80, s11, s14, $0xb8;
	[tilespmem:$0x1F880] =	vst v63  }
0x24a: {  	s10 =	rddreg [dreg:$0x8]  }
0x24b: {  	[tilespmem:s19], [sflag:$0x3] =	stream.indirect.gather [hbm4b:s1+s14], $0x80, s10, s14, $0xb8;
	[tilespmem:$0x1F880] =	vst v63  }
0x24c: {  	s11 =	rddreg [dreg:$0x9]  }
0x24d: {  	[tilespmem:s20], [sflag:$0x4] =	stream.indirect.gather [hbm4b:s1+s14], $0x80, s11, s14, $0xb8;
	[tilespmem:$0x1F880] =	vst v63  }
0x24e: {  	_ =	swait.ge [sflag:s16], $0x2800  }
0x24f: {  	[sflag:s16] =	ssyncset.done $0x0  }
0x250: {  	[sflag:s16] =	ssyncadd.s32 $0xFFFFD800  }
0x251: {  	_ =	swait.ge [sflag:s17], $0x2800  }
0x252: {  	[sflag:s17] =	ssyncset.done $0x0  }
0x253: {  	[sflag:s17] =	ssyncadd.s32 $0xFFFFD800  }
0x254: {  	_ =	swait.ge [sflag:s18], $0x2800  }
0x255: {  	[sflag:s18] =	ssyncset.done $0x0  }
0x256: {  	[sflag:s18] =	ssyncadd.s32 $0xFFFFD800  }
0x257: {  	_ =	swait.ge [sflag:s21], $0x2800  }
0x258: {  	[sflag:s21] =	ssyncset.done $0x0  }
0x259: {  	s10 =	rddreg [dreg:$0xa];
	[sflag:s21] =	ssyncadd.s32 $0xFFFFD800  }
0x25a: {  	[spmem:s3] =	stream.indirect.scatter.add.f32 [tilespmem:s19], [sflag:$0x3], $0x80, s10, s14, $0xb8;
	[tilespmem:$0x1F880] =	vst v63  }
0x25b: {  	s11 =	rddreg [dreg:$0xb]  }
0x25c: {  	[spmem:s3] =	stream.indirect.scatter.add.f32 [tilespmem:s20], [sflag:$0x4], $0x80, s11, s14, $0xb8;
	[tilespmem:$0x1F880] =	vst v63  }
0x25d: {  	s7 =	rddreg [dreg:$0xc]  }
0x25e: {  	[tilespmem:s12], [sflag:$0x1] =	stream.indirect.gather [hbm4b:s1+s14], $0x80, s7, s14, $0xb8;
	[tilespmem:$0x1F880] =	vst v63  }
0x25f: {  	s11 =	rddreg [dreg:$0xd]  }
0x260: {  	[tilespmem:s15], [sflag:$0x2] =	stream.indirect.gather [hbm4b:s1+s14], $0x80, s11, s14, $0xb8;
	[tilespmem:$0x1F880] =	vst v63  }
0x261: {  	_ =	swait.ge [sflag:s18], $0x2800  }
0x262: {  	[sflag:s18] =	ssyncset.done $0x0  }
0x263: {  	[sflag:s18] =	ssyncadd.s32 $0xFFFFD800  }
0x264: {  	_ =	swait.ge [sflag:s21], $0x2800  }
0x265: {  	[sflag:s21] =	ssyncset.done $0x0  }
0x266: {  	[sflag:s21] =	ssyncadd.s32 $0xFFFFD800  }
0x267: {  	_ =	swait.ge [sflag:s16], $0x2800  }
0x268: {  	[sflag:s16] =	ssyncset.done $0x0  }
0x269: {  	[sflag:s16] =	ssyncadd.s32 $0xFFFFD800  }
0x26a: {  	_ =	swait.ge [sflag:s17], $0x2800  }
0x26b: {  	[sflag:s17] =	ssyncset.done $0x0  }
0x26c: {  	s10 =	rddreg [dreg:$0xe];
	[sflag:s17] =	ssyncadd.s32 $0xFFFFD800  }
0x26d: {  	[spmem:s3] =	stream.indirect.scatter.add.f32 [tilespmem:s12], [sflag:$0x1], $0x80, s10, s14, $0xb8;
	[tilespmem:$0x1F880] =	vst v63  }
0x26e: {  	s11 =	rddreg [dreg:$0xf]  }
0x26f: {  	[spmem:s3] =	stream.indirect.scatter.add.f32 [tilespmem:s15], [sflag:$0x2], $0x80, s11, s14, $0xb8;
	[tilespmem:$0x1F880] =	vst v63  }
0x270: {  	s7 =	rddreg [dreg:$0x10]  }
0x271: {  	[tilespmem:s19], [sflag:$0x3] =	stream.indirect.gather [hbm4b:s1+s14], $0x80, s7, s14, $0xb8;
	[tilespmem:$0x1F880] =	vst v63  }
0x272: {  	s11 =	rddreg [dreg:$0x11]  }
0x273: {  	[tilespmem:s20], [sflag:$0x4] =	stream.indirect.gather [hbm4b:s1+s14], $0x80, s11, s14, $0xb8;
	[tilespmem:$0x1F880] =	vst v63  }
0x274: {  	_ =	swait.ge [sflag:s16], $0x2800  }
0x275: {  	[sflag:s16] =	ssyncset.done $0x0  }
0x276: {  	[sflag:s16] =	ssyncadd.s32 $0xFFFFD800  }
0x277: {  	_ =	swait.ge [sflag:s17], $0x2800  }
0x278: {  	[sflag:s17] =	ssyncset.done $0x0  }
0x279: {  	[sflag:s17] =	ssyncadd.s32 $0xFFFFD800  }
0x27a: {  	_ =	swait.ge [sflag:s18], $0x2800  }
0x27b: {  	[sflag:s18] =	ssyncset.done $0x0  }
0x27c: {  	[sflag:s18] =	ssyncadd.s32 $0xFFFFD800  }
0x27d: {  	_ =	swait.ge [sflag:s21], $0x2800  }
0x27e: {  	[sflag:s21] =	ssyncset.done $0x0  }
0x27f: {  	s10 =	rddreg [dreg:$0x12];
	[sflag:s21] =	ssyncadd.s32 $0xFFFFD800  }
0x280: {  	[spmem:s3] =	stream.indirect.scatter.add.f32 [tilespmem:s19], [sflag:$0x3], $0x80, s10, s14, $0xb8;
	[tilespmem:$0x1F880] =	vst v63  }
0x281: {  	s11 =	rddreg [dreg:$0x13]  }
0x282: {  	[spmem:s3] =	stream.indirect.scatter.add.f32 [tilespmem:s20], [sflag:$0x4], $0x80, s11, s14, $0xb8;
	[tilespmem:$0x1F880] =	vst v63  }
0x283: {  	s7 =	rddreg [dreg:$0x14]  }
0x284: {  	[tilespmem:s12], [sflag:$0x1] =	stream.indirect.gather [hbm4b:s1+s14], $0x80, s7, s14, $0xb8;
	[tilespmem:$0x1F880] =	vst v63  }
0x285: {  	s11 =	rddreg [dreg:$0x15]  }
0x286: {  	[tilespmem:s15], [sflag:$0x2] =	stream.indirect.gather [hbm4b:s1+s14], $0x80, s11, s14, $0xb8;
	[tilespmem:$0x1F880] =	vst v63  }
0x287: {  	_ =	swait.ge [sflag:s18], $0x2800  }
0x288: {  	[sflag:s18] =	ssyncset.done $0x0  }
0x289: {  	[sflag:s18] =	ssyncadd.s32 $0xFFFFD800  }
0x28a: {  	_ =	swait.ge [sflag:s21], $0x2800  }
0x28b: {  	[sflag:s21] =	ssyncset.done $0x0  }
0x28c: {  	[sflag:s21] =	ssyncadd.s32 $0xFFFFD800  }
0x28d: {  	_ =	swait.ge [sflag:s16], $0x2800  }
0x28e: {  	[sflag:s16] =	ssyncset.done $0x0  }
0x28f: {  	[sflag:s16] =	ssyncadd.s32 $0xFFFFD800  }
0x290: {  	_ =	swait.ge [sflag:s17], $0x2800  }
0x291: {  	[sflag:s17] =	ssyncset.done $0x0  }
0x292: {  	s10 =	rddreg [dreg:$0x16];
	[sflag:s17] =	ssyncadd.s32 $0xFFFFD800  }
0x293: {  	[spmem:s3] =	stream.indirect.scatter.add.f32 [tilespmem:s12], [sflag:$0x1], $0x80, s10, s14, $0xb8;
	[tilespmem:$0x1F880] =	vst v63  }
0x294: {  	s11 =	rddreg [dreg:$0x17]  }
0x295: {  	[spmem:s3] =	stream.indirect.scatter.add.f32 [tilespmem:s15], [sflag:$0x2], $0x80, s11, s14, $0xb8;
	[tilespmem:$0x1F880] =	vst v63  }
0x296: {  	s7 =	rddreg [dreg:$0x18]  }
0x297: {  	[tilespmem:s19], [sflag:$0x3] =	stream.indirect.gather [hbm4b:s1+s14], $0x80, s7, s14, $0xb8;
	[tilespmem:$0x1F880] =	vst v63  }
0x298: {  	s11 =	rddreg [dreg:$0x19]  }
0x299: {  	[tilespmem:s20], [sflag:$0x4] =	stream.indirect.gather [hbm4b:s1+s14], $0x80, s11, s14, $0xb8;
	[tilespmem:$0x1F880] =	vst v63  }
0x29a: {  	_ =	swait.ge [sflag:s16], $0x2800  }
0x29b: {  	[sflag:s16] =	ssyncset.done $0x0  }
0x29c: {  	[sflag:s16] =	ssyncadd.s32 $0xFFFFD800  }
0x29d: {  	_ =	swait.ge [sflag:s17], $0x2800  }
0x29e: {  	[sflag:s17] =	ssyncset.done $0x0  }
0x29f: {  	[sflag:s17] =	ssyncadd.s32 $0xFFFFD800  }
0x2a0: {  	_ =	swait.ge [sflag:s18], $0x2800  }
0x2a1: {  	[sflag:s18] =	ssyncset.done $0x0  }
0x2a2: {  	[sflag:s18] =	ssyncadd.s32 $0xFFFFD800  }
0x2a3: {  	_ =	swait.ge [sflag:s21], $0x2800  }
0x2a4: {  	[sflag:s21] =	ssyncset.done $0x0  }
0x2a5: {  	s10 =	rddreg [dreg:$0x1a];
	[sflag:s21] =	ssyncadd.s32 $0xFFFFD800  }
0x2a6: {  	[spmem:s3] =	stream.indirect.scatter.add.f32 [tilespmem:s19], [sflag:$0x3], $0x80, s10, s14, $0xb8;
	[tilespmem:$0x1F880] =	vst v63  }
0x2a7: {  	s11 =	rddreg [dreg:$0x1b]  }
0x2a8: {  	[spmem:s3] =	stream.indirect.scatter.add.f32 [tilespmem:s20], [sflag:$0x4], $0x80, s11, s14, $0xb8;
	[tilespmem:$0x1F880] =	vst v63  }
0x2a9: {  	s7 =	rddreg [dreg:$0x1c]  }
0x2aa: {  	[tilespmem:s12], [sflag:$0x1] =	stream.indirect.gather [hbm4b:s1+s14], $0x80, s7, s14, $0xb8;
	[tilespmem:$0x1F880] =	vst v63  }
0x2ab: {  	s11 =	rddreg [dreg:$0x1d]  }
0x2ac: {  	[tilespmem:s15], [sflag:$0x2] =	stream.indirect.gather [hbm4b:s1+s14], $0x80, s11, s14, $0xb8;
	[tilespmem:$0x1F880] =	vst v63  }
0x2ad: {  	_ =	swait.ge [sflag:s18], $0x2800  }
0x2ae: {  	[sflag:s18] =	ssyncset.done $0x0  }
0x2af: {  	[sflag:s18] =	ssyncadd.s32 $0xFFFFD800  }
0x2b0: {  	_ =	swait.ge [sflag:s21], $0x2800  }
0x2b1: {  	[sflag:s21] =	ssyncset.done $0x0  }
0x2b2: {  	[sflag:s21] =	ssyncadd.s32 $0xFFFFD800  }
0x2b3: {  	_ =	swait.ge [sflag:s16], $0x2800  }
0x2b4: {  	[sflag:s16] =	ssyncset.done $0x0  }
0x2b5: {  	[sflag:s16] =	ssyncadd.s32 $0xFFFFD800  }
0x2b6: {  	_ =	swait.ge [sflag:s17], $0x2800  }
0x2b7: {  	s10 =	rddreg [dreg:$0x1e];
	[sflag:s17] =	ssyncset.done $0x0  }
0x2b8: {  	s11 =	rddreg [dreg:$0x1f];
	[sflag:s17] =	ssyncadd.s32 $0xFFFFD800  }
0x2b9: {  	[spmem:s3] =	stream.indirect.scatter.add.f32 [tilespmem:s12], [sflag:$0x1], $0x80, s10, s14, $0xb8;
	[tilespmem:$0x1F880] =	vst v63  }
0x2ba: {  	s7 =	sld [smem:$0x7F5]  }
0x2bb: {  	[spmem:s3] =	stream.indirect.scatter.add.f32 [tilespmem:s15], [sflag:$0x2], $0x80, s11, s14, $0xb8;
	[tilespmem:$0x1F880] =	vst v63  }
0x2bc: {  	s11 =	sld [smem:$0x7F6]  }
0x2bd: {  	[tilespmem:s19], [sflag:$0x3] =	stream.indirect.gather [hbm4b:s1+s14], $0x80, s7, s14, $0xb8;
	[tilespmem:$0x1F880] =	vst v63  }
0x2be: {  	_ = 	snop  }
0x2bf: {  	[tilespmem:s20], [sflag:$0x4] =	stream.indirect.gather [hbm4b:s1+s14], $0x80, s11, s14, $0xb8;
	[tilespmem:$0x1F880] =	vst v63  }
0x2c0: {  	_ =	swait.ge [sflag:s16], $0x2800  }
0x2c1: {  	[sflag:s16] =	ssyncset.done $0x0  }
0x2c2: {  	[sflag:s16] =	ssyncadd.s32 $0xFFFFD800  }
0x2c3: {  	_ =	swait.ge [sflag:s17], $0x2800  }
0x2c4: {  	[sflag:s17] =	ssyncset.done $0x0  }
0x2c5: {  	[sflag:s17] =	ssyncadd.s32 $0xFFFFD800  }
0x2c6: {  	_ =	swait.ge [sflag:s18], $0x2800  }
0x2c7: {  	[sflag:s18] =	ssyncset.done $0x0  }
0x2c8: {  	[sflag:s18] =	ssyncadd.s32 $0xFFFFD800  }
0x2c9: {  	_ =	swait.ge [sflag:s21], $0x2800  }
0x2ca: {  	s10 =	sld [smem:$0x7F7]  }
0x2cb: {  	[sflag:s21] =	ssyncset.done $0x0  }
0x2cc: {  	s11 =	sld [smem:$0x7F8];
	[sflag:s21] =	ssyncadd.s32 $0xFFFFD800  }
0x2cd: {  	[spmem:s3] =	stream.indirect.scatter.add.f32 [tilespmem:s19], [sflag:$0x3], $0x80, s10, s14, $0xb8;
	[tilespmem:$0x1F880] =	vst v63  }
0x2ce: {  	s7 =	sld [smem:$0x7F9]  }
0x2cf: {  	[spmem:s3] =	stream.indirect.scatter.add.f32 [tilespmem:s20], [sflag:$0x4], $0x80, s11, s14, $0xb8;
	[tilespmem:$0x1F880] =	vst v63  }
0x2d0: {  	s11 =	sld [smem:$0x7FA]  }
0x2d1: {  	[tilespmem:s12], [sflag:$0x1] =	stream.indirect.gather [hbm4b:s1+s14], $0x80, s7, s14, $0xb8;
	[tilespmem:$0x1F880] =	vst v63  }
0x2d2: {  	_ = 	snop  }
0x2d3: {  	[tilespmem:s15], [sflag:$0x2] =	stream.indirect.gather [hbm4b:s1+s14], $0x80, s11, s14, $0xb8;
	[tilespmem:$0x1F880] =	vst v63  }
0x2d4: {  	_ =	swait.ge [sflag:s18], $0x2800  }
0x2d5: {  	[sflag:s18] =	ssyncset.done $0x0  }
0x2d6: {  	[sflag:s18] =	ssyncadd.s32 $0xFFFFD800  }
0x2d7: {  	_ =	swait.ge [sflag:s21], $0x2800  }
0x2d8: {  	[sflag:s21] =	ssyncset.done $0x0  }
0x2d9: {  	[sflag:s21] =	ssyncadd.s32 $0xFFFFD800  }
0x2da: {  	_ =	swait.ge [sflag:s16], $0x2800  }
0x2db: {  	[sflag:s16] =	ssyncset.done $0x0  }
0x2dc: {  	[sflag:s16] =	ssyncadd.s32 $0xFFFFD800  }
0x2dd: {  	_ =	swait.ge [sflag:s17], $0x2800  }
0x2de: {  	s11 =	sld [smem:$0x7FB]  }
0x2df: {  	[sflag:s17] =	ssyncset.done $0x0  }
0x2e0: {  	s10 =	sld [smem:$0x7FC];
	[sflag:s17] =	ssyncadd.s32 $0xFFFFD800  }
0x2e1: {  	[spmem:s3] =	stream.indirect.scatter.add.f32 [tilespmem:s12], [sflag:$0x1], $0x80, s11, s14, $0xb8;
	[tilespmem:$0x1F880] =	vst v63  }
0x2e2: {  	s11 =	sld [smem:$0x7FD]  }
0x2e3: {  	[spmem:s3] =	stream.indirect.scatter.add.f32 [tilespmem:s15], [sflag:$0x2], $0x80, s10, s14, $0xb8;
	[tilespmem:$0x1F880] =	vst v63  }
0x2e4: {  	_ = 	snop  }
0x2e5: {  	[tilespmem:s19], [sflag:$0x3] =	stream.indirect.gather [hbm4b:s1+s14], $0x80, s11, s14, $0xb8;
	[tilespmem:$0x1F880] =	vst v63  }
0x2e6: {  	_ = 	snop  }
0x2e7: {  	[tilespmem:s20], [sflag:$0x4] =	stream.indirect.gather [hbm4b:s1+s14], $0x80, s22, s14, $0xb8;
	[tilespmem:$0x1F880] =	vst v63  }
0x2e8: {  	_ =	swait.ge [sflag:s16], $0x2800  }
0x2e9: {  	[sflag:s16] =	ssyncset.done $0x0  }
0x2ea: {  	[sflag:s16] =	ssyncadd.s32 $0xFFFFD800  }
0x2eb: {  	_ =	swait.ge [sflag:s17], $0x2800  }
0x2ec: {  	[sflag:s17] =	ssyncset.done $0x0  }
0x2ed: {  	[sflag:s17] =	ssyncadd.s32 $0xFFFFD800  }
0x2ee: {  	_ =	swait.ge [sflag:s18], $0x2800  }
0x2ef: {  	[sflag:s18] =	ssyncset.done $0x0  }
0x2f0: {  	[sflag:s18] =	ssyncadd.s32 $0xFFFFD800  }
0x2f1: {  	_ =	swait.ge [sflag:s21], $0x2800  }
0x2f2: {  	[sflag:s21] =	ssyncset.done $0x0  }
0x2f3: {  	[sflag:s21] =	ssyncadd.s32 $0xFFFFD800  }
0x2f4: {  	[spmem:s3] =	stream.indirect.scatter.add.f32 [tilespmem:s19], [sflag:$0x3], $0x80, s23, s14, $0xb8;
	[tilespmem:$0x1F880] =	vst v63  }
0x2f5: {  	_ = 	snop  }
0x2f6: {  	[spmem:s3] =	stream.indirect.scatter.add.f32 [tilespmem:s20], [sflag:$0x4], $0x80, s24, s14, $0xb8;
	[tilespmem:$0x1F880] =	vst v63  }
0x2f7: {  	_ = 	snop  }
0x2f8: {  	[tilespmem:s12], [sflag:$0x1] =	stream.indirect.gather [hbm4b:s1+s14], $0x80, s25, s14, $0xb8;
	[tilespmem:$0x1F880] =	vst v63  }
0x2f9: {  	_ = 	snop  }
0x2fa: {  	[tilespmem:s15], [sflag:$0x2] =	stream.indirect.gather [hbm4b:s1+s14], $0x80, s26, s14, $0xb8;
	[tilespmem:$0x1F880] =	vst v63  }
0x2fb: {  	_ =	swait.ge [sflag:s18], $0x2800  }
0x2fc: {  	[sflag:s18] =	ssyncset.done $0x0  }
0x2fd: {  	[sflag:s18] =	ssyncadd.s32 $0xFFFFD800  }
0x2fe: {  	_ =	swait.ge [sflag:s21], $0x2800  }
0x2ff: {  	[sflag:s21] =	ssyncset.done $0x0  }
0x300: {  	[sflag:s21] =	ssyncadd.s32 $0xFFFFD800  }
0x301: {  	_ =	swait.ge [sflag:s16], $0x2800  }
0x302: {  	[sflag:s16] =	ssyncset.done $0x0  }
0x303: {  	[sflag:s16] =	ssyncadd.s32 $0xFFFFD800  }
0x304: {  	_ =	swait.ge [sflag:s17], $0x2800  }
0x305: {  	[sflag:s17] =	ssyncset.done $0x0  }
0x306: {  	[sflag:s17] =	ssyncadd.s32 $0xFFFFD800  }
0x307: {  	[spmem:s3] =	stream.indirect.scatter.add.f32 [tilespmem:s12], [sflag:$0x1], $0x80, s28, s14, $0xb8;
	[tilespmem:$0x1F880] =	vst v63  }
0x308: {  	_ = 	snop  }
0x309: {  	[spmem:s3] =	stream.indirect.scatter.add.f32 [tilespmem:s15], [sflag:$0x2], $0x80, s29, s14, $0xb8;
	[tilespmem:$0x1F880] =	vst v63  }
0x30a: {  	_ = 	snop  }
0x30b: {  	[tilespmem:s19], [sflag:$0x3] =	stream.indirect.gather [hbm4b:s1+s14], $0x80, s30, s14, $0xb8;
	[tilespmem:$0x1F880] =	vst v63  }
0x30c: {  	_ = 	snop  }
0x30d: {  	[tilespmem:s20], [sflag:$0x4] =	stream.indirect.gather [hbm4b:s1+s14], $0x80, s31, s14, $0xb8;
	[tilespmem:$0x1F880] =	vst v63  }
0x30e: {  	_ =	swait.ge [sflag:s16], $0x2800  }
0x30f: {  	[sflag:s16] =	ssyncset.done $0x0  }
0x310: {  	[sflag:s16] =	ssyncadd.s32 $0xFFFFD800  }
0x311: {  	_ =	swait.ge [sflag:s17], $0x2800  }
0x312: {  	[sflag:s17] =	ssyncset.done $0x0  }
0x313: {  	[sflag:s17] =	ssyncadd.s32 $0xFFFFD800  }
0x314: {  	_ =	swait.ge [sflag:s18], $0x2800  }
0x315: {  	[sflag:s18] =	ssyncset.done $0x0  }
0x316: {  	[sflag:s18] =	ssyncadd.s32 $0xFFFFD800  }
0x317: {  	_ =	swait.ge [sflag:s21], $0x2800  }
0x318: {  	[sflag:s21] =	ssyncset.done $0x0  }
0x319: {  	[sflag:s21] =	ssyncadd.s32 $0xFFFFD800  }
0x31a: {  	[spmem:s3] =	stream.indirect.scatter.add.f32 [tilespmem:s19], [sflag:$0x3], $0x80, s2, s14, $0xb8;
	[tilespmem:$0x1F880] =	vst v63  }
0x31b: {  	_ = 	snop  }
0x31c: {  	[spmem:s3] =	stream.indirect.scatter.add.f32 [tilespmem:s20], [sflag:$0x4], $0x80, s0, s14, $0xb8;
	[tilespmem:$0x1F880] =	vst v63  }
0x31d: {  	_ = 	snop  }
0x31e: {  	[tilespmem:s12], [sflag:$0x1] =	stream.indirect.gather [hbm4b:s1+s14], $0x80, s5, s14, $0xb8;
	[tilespmem:$0x1F880] =	vst v63  }
0x31f: {  	_ =	swait.ge [sflag:s18], $0x2800  }
0x320: {  	[sflag:s18] =	ssyncset.done $0x0  }
0x321: {  	[sflag:s18] =	ssyncadd.s32 $0xFFFFD800  }
0x322: {  	_ =	swait.ge [sflag:s21], $0x2800  }
0x323: {  	[sflag:s21] =	ssyncset.done $0x0  }
0x324: {  	[sflag:s21] =	ssyncadd.s32 $0xFFFFD800  }
0x325: {  	_ =	swait.ge [sflag:s16], $0x2800  }
0x326: {  	[sflag:s16] =	ssyncset.done $0x0  }
0x327: {  	[sflag:s16] =	ssyncadd.s32 $0xFFFFD800  }
0x328: {  	[spmem:s3] =	stream.indirect.scatter.add.f32 [tilespmem:s12], [sflag:$0x5], $0x80, s9, s14, $0xb8;
	[tilespmem:$0x1F880] =	vst v63  }
0x329: {  	_ =	swait.ge [sflag:s6], $0x2800  }
0x32a: {  	[sflag:s6] =	ssyncset.done $0x0  }
0x32b: {  	[sflag:s6] =	ssyncadd.s32 $0xFFFFD800  }
0x32c: {  	[bflag:$0x0] =	sbarrier.arrive $0xFFFF  }
0x32d: {  	s11 =	sld [smem:$0x7F3];
	_ =	sdelay $0x2  }
0x32e: {  	[tilespmem:s12], [sflag:$0x5] =	stream.linear.gather [spmem:s11], $0x2800, $0x38;
	[tilespmem:$0x1F880] =	vst v63  }
0x32f: {  	_ =	swait.ge [sflag:s6], $0x2800  }
0x330: {  	s10 =	sld [smem:$0x7F4];
	_ =	sdelay $0x1  }
0x331: {  	[sflag:s6] =	ssyncset.done $0x0  }
0x332: {  	[sflag:s6] =	ssyncadd.s32 $0xFFFFD800;
	s22 =	sadd.s32 s10, s8  }
0x333: {  	[hbm4b:s22+s4] =	stream.linear.scatter [tilespmem:s12], [sflag:$0x5], $0x2800, $0x38;
	[tilespmem:$0x1F880] =	vst v63  }
.Ltmp3:
0x334: {  	_ =	swait.ge [sflag:s6], $0x2800;
	(pc) =	sbr.rel @!p0 .LBB2_7-.Ltmp3, $2  }
0x335: {  	s22 =	sld [smem:$0x7F1];
	_ =	sdelay $0x2  }
0x336: {  	[sflag:s6] =	ssyncset.done $0x0;
	s7 =	sadd.s32 $0xFFFFFFFF, s22  }
.LBB2_6:
0x337: {  	[sflag:s6] =	ssyncadd.s32 $0xFFFFD800;
	s10 =	sadd.s32 $0x500, s10;
	s11 =	sadd.s32 $0x2800, s11  }
0x338: {  	[tilespmem:s12], [sflag:$0x5] =	stream.linear.gather [spmem:s11], $0x2800, $0x38;
	[tilespmem:$0x1F880] =	vst v63  }
0x339: {  	p0 =	sne.s32 s7, $0x1;
	s7 =	sadd.s32 $0xFFFFFFFF, s7;
	_ =	swait.ge [sflag:s6], $0x2800  }
.Ltmp4:
0x33a: {  	[sflag:s6] =	ssyncset.done $0x0;
	(pc) =	sbr.rel @p0 .LBB2_6-.Ltmp4, $4  }
0x33b: {  	s22 =	sadd.s32 s10, s8;
	[sflag:s6] =	ssyncadd.s32 $0xFFFFD800  }
0x33c: {  	[hbm4b:s22+s4] =	stream.linear.scatter [tilespmem:s12], [sflag:$0x5], $0x2800, $0x38;
	[tilespmem:$0x1F880] =	vst v63  }
0x33d: {  	_ =	swait.ge [sflag:s6], $0x2800  }
0x33e: {  	[sflag:s6] =	ssyncset.done $0x0  }
.LBB2_7:
0x33f: {  	s10 =	sld [smem:$0x7EF]  }
0x340: {  	s7 =	sld [smem:$0x7F2];
	_ =	sdelay $0x1  }
0x341: {  	s10 =	sadd.s32 $0x1, s10  }
0x342: {  	p0 =	sne.s32 s10, s7  }
.Ltmp5:
0x343: {  	_ = 	snop;
	(pc) =	sbr.rel @p0 .LBB2_1-.Ltmp5, $2  }
0x344: {  	_ =	sdelay $0x2  }
0x345: {  	[sflag:s6] =	ssyncadd.s32 $0xFFFFD800;
	s11 =	simm.s32 $0x980  }
0x346: {  	_ =	sfence.sel $0x180000  }
0x347: {  	[bflag:$0x0] =	sbarrier.arrive $0xFFFF  }
0x348: {  	_ =	strace $0x9000004A  }
0x349: {  	s0 =	stileid.u32;
	[bflag:$0x2] =	sbarrier.arrive $0xFFFF  }
0x34a: {  	p0 =	sne.s32 s0, $0x0;
	s0 =	rddreg [dreg:$0x3]  }
0x34b: {  	s0 =	sadd.s32 @!p0 $0x100000, s0  }
0x34c: {  	[sflag:s0] =	ssyncadd.tile.s32 @!p0 $0x1;
	_ =	shalt  }
.Lfunc_end2:
_tile_overlayer_lowered:
.L_overlay_start_2:
0x34d: {  	(tag) =	ssettag $0x2  }
0x34e: {  	s0 =	rddreg [dreg:$0x0];
	s2 =	stileid.u32  }
0x34f: {  	s1 =	rddreg [dreg:$0x1];
	p0 =	sne.s32 s2, $0x0  }
0x350: {  	s3 =	rddreg [dreg:$0x2];
	[bflag:$0x3] =	sbarrier.arrive $0xFFFF;
	s2 =	simm.s32 @!p0 $0x1C05  }
0x351: {  	[timem:s3], [sflag:s2] =	dma.local @!p0 [hbm:s0], s1  }
0x352: {  	s0 =	simm.s32 @!p0 $0x5  }
0x353: {  	_ =	swait.ge @!p0 [sflag:s0], s1  }
0x354: {  	s1 =	ssub.s32 @!p0 $0x0, s1;
	[sflag:s0] =	ssyncset.done @!p0 $0x0  }
0x355: {  	[sflag:s0] =	ssyncadd.s32 @!p0 s1  }
0x356: {  	[bflag:$0x3] =	sbarrier.arrive $0xFFFF  }
0x357: {  	_ =	shalt  }

</sc_bundles>
